<compile_context>
chip_gen: v7x
topology: tpu7x:2x2x1
jax: 0.10.2.dev20260603
libtpu: 0.0.44.dev20260713+nightly
codegen_flags: <defaults>
</compile_context>

<pallas_src>
import functools

import jax
import jax.numpy as jnp
from jax import lax
from jax.experimental import pallas as pl
from jax.experimental.pallas import tpu as pltpu
from jax.experimental.pallas import tpu_sc as plsc

N = 10000
E = 320000
B = 256
H = 64
ND = 128
SD = 51

NC = 2
NS = 16
NW = NC * NS
EPW = E // NW
CHUNK = 128
NCHUNK = -(-EPW // CHUNK)
EPAD = NCHUNK * CHUNK
NPAD = 10008
SINK = N
R0 = 624
R1 = N - R0 * (NS - 1)
RZ = NPAD - R0 * (NS - 1)
DEGW = 8

RB = 2000
NBLK = N // RB


def _sc_mesh():
    return plsc.VectorSubcoreMesh(
        core_axis_name="c", subcore_axis_name="s", num_cores=NC, num_subcores=NS
    )


def _stripe_copy(s, mk_src, mk_dst, last=R1):
    base = pl.multiple_of(s * R0, 8)

    @pl.when(s < NS - 1)
    def _():
        pltpu.sync_copy(mk_src(base, R0), mk_dst(base, R0))

    @pl.when(s == NS - 1)
    def _():
        pltpu.sync_copy(mk_src(base, last), mk_dst(base, last))


def _deg_body(dst_hbm, zeros_hbm, ones_hbm, out_hbm, dst_v, ones_v, acc_sh, sem):
    c = lax.axis_index("c")
    s = lax.axis_index("s")
    w = c * NS + s
    pltpu.sync_copy(dst_hbm.at[w], dst_v)
    pltpu.sync_copy(ones_hbm, ones_v)
    _stripe_copy(s, lambda b, r: zeros_hbm.at[pl.ds(b, r)],
                 lambda b, r: acc_sh.at[pl.ds(b, r)], last=RZ)
    plsc.subcore_barrier()

    def body(j, carry):
        pltpu.async_copy(ones_v, acc_sh.at[dst_v.at[j]], sem, add=True)
        return carry

    lax.fori_loop(0, NCHUNK, body, 0)

    def drain(j, carry):
        pltpu.make_async_copy(ones_v, acc_sh.at[dst_v.at[0]], sem).wait()
        return carry

    lax.fori_loop(0, NCHUNK, drain, 0)
    plsc.subcore_barrier()
    _stripe_copy(s, lambda b, r: acc_sh.at[pl.ds(b, r)],
                 lambda b, r: out_hbm.at[c, pl.ds(b, r)])


def _agg_body(hs_hbm, src_hbm, dst_hbm, zeros_hbm, out_hbm,
              src_v, dst_v, bufa, bufb, hs_sh, acc_sh, sga, sgb, ssa, ssb):
    c = lax.axis_index("c")
    s = lax.axis_index("s")
    w = c * NS + s
    pltpu.sync_copy(src_hbm.at[w], src_v)
    pltpu.sync_copy(dst_hbm.at[w], dst_v)
    _stripe_copy(s, lambda b, r: hs_hbm.at[pl.ds(b, r)],
                 lambda b, r: hs_sh.at[pl.ds(b, r)])
    _stripe_copy(s, lambda b, r: zeros_hbm.at[pl.ds(b, r)],
                 lambda b, r: acc_sh.at[pl.ds(b, r)], last=RZ)
    plsc.subcore_barrier()

    def gather(j, buf, sem):
        pltpu.async_copy(hs_sh.at[src_v.at[j]], buf, sem)

    def wait_gather(buf, sem):
        pltpu.make_async_copy(hs_sh.at[src_v.at[0]], buf, sem).wait()

    def scatter(j, buf, sem):
        pltpu.async_copy(buf, acc_sh.at[dst_v.at[j]], sem, add=True)

    def wait_scatter(buf, sem):
        pltpu.make_async_copy(buf, acc_sh.at[dst_v.at[0]], sem).wait()

    gather(0, bufa, sga)
    gather(1, bufb, sgb)

    def body(i, carry):
        j = 2 * i
        wait_gather(bufa, sga)
        scatter(j, bufa, ssa)
        wait_gather(bufb, sgb)
        scatter(j + 1, bufb, ssb)
        wait_scatter(bufa, ssa)

        @pl.when(j + 2 < NCHUNK)
        def _():
            gather(j + 2, bufa, sga)

        wait_scatter(bufb, ssb)

        @pl.when(j + 3 < NCHUNK)
        def _():
            gather(j + 3, bufb, sgb)

        return carry

    lax.fori_loop(0, NCHUNK // 2, body, 0)
    wait_gather(bufa, sga)
    scatter(NCHUNK - 1, bufa, ssa)
    wait_scatter(bufa, ssa)
    plsc.subcore_barrier()
    _stripe_copy(s, lambda b, r: acc_sh.at[pl.ds(b, r)],
                 lambda b, r: out_hbm.at[c, pl.ds(b, r)])


@functools.lru_cache(maxsize=None)
def _sc_kernels():
    params = pltpu.CompilerParams(use_tc_tiling_on_sc=False)
    deg = pl.kernel(
        _deg_body,
        out_type=jax.ShapeDtypeStruct((NC, N, DEGW), jnp.float32),
        mesh=_sc_mesh(),
        compiler_params=params,
        scratch_types=[
            pltpu.VMEM((NCHUNK, CHUNK), jnp.int32),
            pltpu.VMEM((CHUNK, DEGW), jnp.float32),
            pltpu.VMEM_SHARED((NPAD, DEGW), jnp.float32),
            pltpu.SemaphoreType.DMA,
        ],
    )
    agg = pl.kernel(
        _agg_body,
        out_type=jax.ShapeDtypeStruct((NC, N, H), jnp.float32),
        mesh=_sc_mesh(),
        compiler_params=params,
        scratch_types=[
            pltpu.VMEM((NCHUNK, CHUNK), jnp.int32),
            pltpu.VMEM((NCHUNK, CHUNK), jnp.int32),
            pltpu.VMEM((CHUNK, H), jnp.float32),
            pltpu.VMEM((CHUNK, H), jnp.float32),
            pltpu.VMEM_SHARED((N, H), jnp.float32),
            pltpu.VMEM_SHARED((NPAD, H), jnp.float32),
            pltpu.SemaphoreType.DMA,
            pltpu.SemaphoreType.DMA,
            pltpu.SemaphoreType.DMA,
            pltpu.SemaphoreType.DMA,
        ],
    )
    return deg, agg



def _dinv_of(degp_ref):
    deg = degp_ref[0, :, 0] + degp_ref[1, :, 0] + 1.0
    return lax.rsqrt(deg)


def _prep_body(degp_ref, x_ref, w1_ref, hs_ref):
    dinv = _dinv_of(degp_ref)
    p = jnp.dot(x_ref[...], w1_ref[...], preferred_element_type=jnp.float32)
    hs_ref[...] = p * dinv[:, None]


_prep = pl.pallas_call(
    _prep_body,
    out_shape=jax.ShapeDtypeStruct((N, H), jnp.float32),
)


def _mid_body(degp_ref, part_ref, hs_ref, b1_ref, w2_ref, hs2_ref):
    dinv = _dinv_of(degp_ref)
    agg = part_ref[0] + part_ref[1] + hs_ref[...]
    h1 = jnp.maximum(agg * dinv[:, None] + b1_ref[...], 0.0)
    hs2_ref[...] = (
        jnp.dot(h1, w2_ref[...], preferred_element_type=jnp.float32) * dinv[:, None]
    )


_mid = pl.pallas_call(
    _mid_body,
    out_shape=jax.ShapeDtypeStruct((N, H), jnp.float32),
)


def _final_body(degp_ref, part_ref, hs2_ref, b2_ref, batch_ref, sigma_ref,
                ws1_ref, bs1_ref, ws2_ref, bs2_ref, wf_ref, bf_ref,
                wp_ref, bp_ref, out_ref, acc_ref):
    i = pl.program_id(0)

    @pl.when(i == 0)
    def _():
        acc_ref[...] = jnp.zeros_like(acc_ref)

    dinv = _dinv_of(degp_ref)
    agg = part_ref[0] + part_ref[1] + hs2_ref[...]
    h2 = jnp.maximum(agg * dinv[:, None] + b2_ref[...], 0.0)
    h2e = jnp.concatenate([h2, jnp.ones((RB, 1), jnp.float32)], axis=1)
    bb = batch_ref[0, 0, :]
    onehot = (bb[:, None] == lax.broadcasted_iota(jnp.int32, (1, B), 1)
              ).astype(jnp.float32)
    acc_ref[...] += lax.dot_general(
        onehot, h2e, dimension_numbers=(((0,), (0,)), ((), ())),
        preferred_element_type=jnp.float32)

    @pl.when(i == NBLK - 1)
    def _():
        cnt = jnp.maximum(acc_ref[:, H:H + 1], 1.0)
        mol = acc_ref[:, :H] / cnt
        sf = jnp.maximum(
            jnp.dot(sigma_ref[...], ws1_ref[...],
                    preferred_element_type=jnp.float32) + bs1_ref[...], 0.0)
        sf = jnp.maximum(
            jnp.dot(sf, ws2_ref[...],
                    preferred_element_type=jnp.float32) + bs2_ref[...], 0.0)
        comb = jnp.maximum(
            jnp.dot(sf, wf_ref[0:H, :], preferred_element_type=jnp.float32)
            + jnp.dot(mol, wf_ref[H:2 * H, :], preferred_element_type=jnp.float32)
            + bf_ref[...], 0.0)
        out_ref[...] = (
            jnp.dot(comb, wp_ref[...], preferred_element_type=jnp.float32)
            + bp_ref[...])


_final = pl.pallas_call(
    _final_body,
    grid=(NBLK,),
    in_specs=[
        pl.BlockSpec((NC, RB, DEGW), lambda i: (0, i, 0)),
        pl.BlockSpec((NC, RB, H), lambda i: (0, i, 0)),
        pl.BlockSpec((RB, H), lambda i: (i, 0)),
        pl.BlockSpec((1, H), lambda i: (0, 0)),
        pl.BlockSpec((1, 1, RB), lambda i: (i, 0, 0)),
        pl.BlockSpec((B, SD), lambda i: (0, 0)),
        pl.BlockSpec((SD, 2 * H), lambda i: (0, 0)),
        pl.BlockSpec((1, 2 * H), lambda i: (0, 0)),
        pl.BlockSpec((2 * H, H), lambda i: (0, 0)),
        pl.BlockSpec((1, H), lambda i: (0, 0)),
        pl.BlockSpec((2 * H, H), lambda i: (0, 0)),
        pl.BlockSpec((1, H), lambda i: (0, 0)),
        pl.BlockSpec((H, 1), lambda i: (0, 0)),
        pl.BlockSpec((1, 1), lambda i: (0, 0)),
    ],
    out_specs=pl.BlockSpec((B, 1), lambda i: (0, 0)),
    out_shape=jax.ShapeDtypeStruct((B, 1), jnp.float32),
    scratch_shapes=[pltpu.VMEM((B, H + 1), jnp.float32)],
)



def kernel(sigma_data, x, edge_index, batch, W_g1, b_g1, W_g2, b_g2,
           W_s1, b_s1, W_s2, b_s2, W_f, b_f, W_p, b_p):
    src2 = edge_index[0].reshape(NW, EPW)
    dst2 = edge_index[1].reshape(NW, EPW)
    pad = ((0, 0), (0, EPAD - EPW))
    src3 = jnp.pad(src2, pad).reshape(NW, NCHUNK, CHUNK)
    dst3 = jnp.pad(dst2, pad, constant_values=SINK).reshape(NW, NCHUNK, CHUNK)
    zeros_h = jnp.zeros((NPAD, H), jnp.float32)
    zeros_d = jnp.zeros((NPAD, DEGW), jnp.float32)
    ones_d = jnp.ones((CHUNK, DEGW), jnp.float32)
    batch3 = batch.reshape(NBLK, 1, RB)

    _deg_kernel, _agg_kernel = _sc_kernels()
    degp = _deg_kernel(dst3, zeros_d, ones_d)
    hs1 = _prep(degp, x, W_g1)
    part1 = _agg_kernel(hs1, src3, dst3, zeros_h)
    hs2 = _mid(degp, part1, hs1, b_g1.reshape(1, H), W_g2)
    part2 = _agg_kernel(hs2, src3, dst3, zeros_h)
    pred = _final(degp, part2, hs2, b_g2.reshape(1, H), batch3, sigma_data,
                  W_s1, b_s1.reshape(1, 2 * H), W_s2, b_s2.reshape(1, H),
                  W_f, b_f.reshape(1, H), W_p, b_p.reshape(1, 1))
    return pred.reshape(B)

# --- scband reference (transcript-rebuilt; emitter-appended) ---
"""Pipeline reference for scband-hybrid-model-11897059410629 (READ-ONLY COPY).

The authoritative reference and input builder live on the scoring server;
editing this copy changes nothing except your own understanding.
"""

import jax, jax.numpy as jnp
import numpy as np

N = 10000
E = 320000
B = 256
SIGMA_DIM = 51
NODE_DIM = 128
H = 64


def setup_inputs(seed: int = 0) -> dict:
    key = jax.random.key(seed)
    ks = jax.random.split(key, 16)

    def lin(k, fan_in, fan_out):
        return jax.random.normal(k, (fan_in, fan_out), dtype=jnp.float32) * (1.0 / np.sqrt(fan_in))

    inp = {}
    inp["sigma_data"] = jax.random.normal(ks[0], (B, SIGMA_DIM), dtype=jnp.float32)
    inp["x"] = jax.random.normal(ks[1], (N, NODE_DIM), dtype=jnp.float32)
    inp["edge_index"] = jax.random.randint(ks[2], (2, E), 0, N, dtype=jnp.int32)
    inp["batch"] = jnp.sort(jax.random.randint(ks[3], (N,), 0, B, dtype=jnp.int32))
    # GCN conv1 / conv2 weights
    inp["W_g1"] = lin(ks[4], NODE_DIM, H)
    inp["b_g1"] = jnp.zeros((H,), jnp.float32)
    inp["W_g2"] = lin(ks[5], H, H)
    inp["b_g2"] = jnp.zeros((H,), jnp.float32)
    # sigma encoder: fc1 (51 -> 128), fc2 (128 -> 64)
    inp["W_s1"] = lin(ks[6], SIGMA_DIM, 2 * H)
    inp["b_s1"] = jnp.zeros((2 * H,), jnp.float32)
    inp["W_s2"] = lin(ks[7], 2 * H, H)
    inp["b_s2"] = jnp.zeros((H,), jnp.float32)
    # fusion (128 -> 64) and predict (64 -> 1)
    inp["W_f"] = lin(ks[8], 2 * H, H)
    inp["b_f"] = jnp.zeros((H,), jnp.float32)
    inp["W_p"] = lin(ks[9], H, 1)
    inp["b_p"] = jnp.zeros((1,), jnp.float32)
    return inp


def gcn_conv(x, src, dst, W, b, num_nodes):
    # PyG GCNConv: add self loops, symmetric normalization, aggregate at target (dst)
    loop = jnp.arange(num_nodes, dtype=src.dtype)
    s = jnp.concatenate([src, loop])
    d = jnp.concatenate([dst, loop])
    deg = jnp.zeros((num_nodes,), x.dtype).at[d].add(1.0)
    dinv = jnp.where(deg > 0, jax.lax.rsqrt(deg), 0.0)
    norm = dinv[s] * dinv[d]
    h = x @ W
    msg = h[s] * norm[:, None]
    out = jnp.zeros((num_nodes, W.shape[1]), x.dtype).at[d].add(msg)
    return out + b


def reference(sigma_data, x, edge_index, batch, W_g1, b_g1, W_g2, b_g2, W_s1, b_s1, W_s2, b_s2, W_f, b_f, W_p, b_p):
    src, dst = edge_index[0], edge_index[1]
    # MolecularGCN (dropout = identity in eval)
    h = jax.nn.relu(gcn_conv(x, src, dst, W_g1, b_g1, N))
    h = jax.nn.relu(gcn_conv(h, src, dst, W_g2, b_g2, N))
    # global_mean_pool
    sums = jax.ops.segment_sum(h, batch, num_segments=B)
    cnts = jax.ops.segment_sum(jnp.ones((N,), h.dtype), batch, num_segments=B)
    mol_features = sums / jnp.maximum(cnts, 1.0)[:, None]
    # SigmaProfileEncoder
    s_feat = jax.nn.relu(sigma_data @ W_s1 + b_s1)
    s_feat = jax.nn.relu(s_feat @ W_s2 + b_s2)
    # fusion + prediction
    combined = jnp.concatenate([s_feat, mol_features], axis=1)
    combined = jax.nn.relu(combined @ W_f + b_f)
    prediction = combined @ W_p + b_p
    return prediction.squeeze()

if __name__ == "__main__":
    import jax
    _d = setup_inputs()
    print(jax.jit(kernel)(*tuple(_d.values())))

</pallas_src>

<mosaic_0001>
#map = affine_map<(d0, d1) -> (0, 0)>
#map1 = affine_map<(d0, d1) -> (0, 0, 0)>
module attributes {stable_mosaic.version = 14 : i64} {
  func.func @_agg_body(%arg0: i32, %arg1: i32, %arg2: memref<10000x64xf32, #tpu.memory_space<hbm>>, %arg3: memref<32x79x128xi32, #tpu.memory_space<hbm>>, %arg4: memref<32x79x128xi32, #tpu.memory_space<hbm>>, %arg5: memref<10008x64xf32, #tpu.memory_space<hbm>>, %arg6: memref<2x10000x64xf32, #tpu.memory_space<hbm>>, %arg7: memref<79x128xi32, #tpu.memory_space<vmem>>, %arg8: memref<79x128xi32, #tpu.memory_space<vmem>>, %arg9: memref<128x64xf32, #tpu.memory_space<vmem>>, %arg10: memref<128x64xf32, #tpu.memory_space<vmem>>, %arg11: memref<10000x64xf32, #tpu.memory_space<vmem_shared>>, %arg12: memref<10008x64xf32, #tpu.memory_space<vmem_shared>>, %arg13: memref<!tpu.dma_semaphore, #tpu.memory_space<semaphore_mem>>, %arg14: memref<!tpu.dma_semaphore, #tpu.memory_space<semaphore_mem>>, %arg15: memref<!tpu.dma_semaphore, #tpu.memory_space<semaphore_mem>>, %arg16: memref<!tpu.dma_semaphore, #tpu.memory_space<semaphore_mem>>) attributes {dimension_semantics = [#tpu.dimension_semantics<core_parallel>, #tpu.dimension_semantics<subcore_parallel>], iteration_bounds = array<i64: 2, 16>, scalar_prefetch = 0 : i64, scratch_operands = 10 : i64, tpu.core_type = #tpu.core_type<sc_vector_subcore>, window_params = [{transform_indices = #map}, {transform_indices = #map1}, {transform_indices = #map1}, {transform_indices = #map}, {transform_indices = #map1}]} {
    %mul3A = arith.constant 16 : i32
    %mul3A_0 = arith.muli %arg0, %mul3A : i32
    %add3A = arith.addi %mul3A_0, %arg1 : i32
    "tpu.region"() ({
      %run_scoped3A = tpu.sem_alloc : memref<!tpu.dma_semaphore, #tpu.memory_space<semaphore_mem>>
      %dma_start3A_74 = arith.constant 0 : i32
      %dma_start3A_75 = arith.constant 0 : i32
      %dma_start3A_76 = tpu.memref_slice %arg3[%add3A, %dma_start3A_74, %dma_start3A_75] : memref<32x79x128xi32, #tpu.memory_space<hbm>> -> memref<1x79x128xi32, #tpu.memory_space<hbm>>
      %dma_start3A_77 = tpu.memref_squeeze %dma_start3A_76 : memref<1x79x128xi32, #tpu.memory_space<hbm>> -> memref<79x128xi32, #tpu.memory_space<hbm>>
      %dma_start3A_78 = arith.constant 0 : i32
      %dma_start3A_79 = arith.constant 0 : i32
      %dma_start3A_80 = tpu.memref_slice %arg3[%add3A, %dma_start3A_78, %dma_start3A_79] : memref<32x79x128xi32, #tpu.memory_space<hbm>> -> memref<1x79x128xi32, #tpu.memory_space<hbm>>
      %dma_start3A_81 = tpu.memref_squeeze %dma_start3A_80 : memref<1x79x128xi32, #tpu.memory_space<hbm>> -> memref<79x128xi32, #tpu.memory_space<hbm>>
      tpu.enqueue_dma source(%dma_start3A_81 : memref<79x128xi32, #tpu.memory_space<hbm>>) target(%arg7 : memref<79x128xi32, #tpu.memory_space<vmem>>) target_semaphore(%run_scoped3A : memref<!tpu.dma_semaphore, #tpu.memory_space<semaphore_mem>>)
      %dma_wait3A_82 = arith.constant 0 : i32
      %dma_wait3A_83 = arith.constant 0 : i32
      %dma_wait3A_84 = tpu.memref_slice %arg3[%add3A, %dma_wait3A_82, %dma_wait3A_83] : memref<32x79x128xi32, #tpu.memory_space<hbm>> -> memref<1x79x128xi32, #tpu.memory_space<hbm>>
      %dma_wait3A_85 = tpu.memref_squeeze %dma_wait3A_84 : memref<1x79x128xi32, #tpu.memory_space<hbm>> -> memref<79x128xi32, #tpu.memory_space<hbm>>
      %dma_wait3A_86 = arith.constant 0 : i32
      %dma_wait3A_87 = arith.constant 0 : i32
      %dma_wait3A_88 = tpu.memref_slice %arg3[%add3A, %dma_wait3A_86, %dma_wait3A_87] : memref<32x79x128xi32, #tpu.memory_space<hbm>> -> memref<1x79x128xi32, #tpu.memory_space<hbm>>
      %dma_wait3A_89 = tpu.memref_squeeze %dma_wait3A_88 : memref<1x79x128xi32, #tpu.memory_space<hbm>> -> memref<79x128xi32, #tpu.memory_space<hbm>>
      tpu.wait_dma2 semaphore(%run_scoped3A : memref<!tpu.dma_semaphore, #tpu.memory_space<semaphore_mem>>) src(%dma_wait3A_89 : memref<79x128xi32, #tpu.memory_space<hbm>>) dst(%arg7 : memref<79x128xi32, #tpu.memory_space<vmem>>)
      tpu.yield
    }) : () -> ()
    "tpu.region"() ({
      %run_scoped3A = tpu.sem_alloc : memref<!tpu.dma_semaphore, #tpu.memory_space<semaphore_mem>>
      %dma_start3A_74 = arith.constant 0 : i32
      %dma_start3A_75 = arith.constant 0 : i32
      %dma_start3A_76 = tpu.memref_slice %arg4[%add3A, %dma_start3A_74, %dma_start3A_75] : memref<32x79x128xi32, #tpu.memory_space<hbm>> -> memref<1x79x128xi32, #tpu.memory_space<hbm>>
      %dma_start3A_77 = tpu.memref_squeeze %dma_start3A_76 : memref<1x79x128xi32, #tpu.memory_space<hbm>> -> memref<79x128xi32, #tpu.memory_space<hbm>>
      %dma_start3A_78 = arith.constant 0 : i32
      %dma_start3A_79 = arith.constant 0 : i32
      %dma_start3A_80 = tpu.memref_slice %arg4[%add3A, %dma_start3A_78, %dma_start3A_79] : memref<32x79x128xi32, #tpu.memory_space<hbm>> -> memref<1x79x128xi32, #tpu.memory_space<hbm>>
      %dma_start3A_81 = tpu.memref_squeeze %dma_start3A_80 : memref<1x79x128xi32, #tpu.memory_space<hbm>> -> memref<79x128xi32, #tpu.memory_space<hbm>>
      tpu.enqueue_dma source(%dma_start3A_81 : memref<79x128xi32, #tpu.memory_space<hbm>>) target(%arg8 : memref<79x128xi32, #tpu.memory_space<vmem>>) target_semaphore(%run_scoped3A : memref<!tpu.dma_semaphore, #tpu.memory_space<semaphore_mem>>)
      %dma_wait3A_82 = arith.constant 0 : i32
      %dma_wait3A_83 = arith.constant 0 : i32
      %dma_wait3A_84 = tpu.memref_slice %arg4[%add3A, %dma_wait3A_82, %dma_wait3A_83] : memref<32x79x128xi32, #tpu.memory_space<hbm>> -> memref<1x79x128xi32, #tpu.memory_space<hbm>>
      %dma_wait3A_85 = tpu.memref_squeeze %dma_wait3A_84 : memref<1x79x128xi32, #tpu.memory_space<hbm>> -> memref<79x128xi32, #tpu.memory_space<hbm>>
      %dma_wait3A_86 = arith.constant 0 : i32
      %dma_wait3A_87 = arith.constant 0 : i32
      %dma_wait3A_88 = tpu.memref_slice %arg4[%add3A, %dma_wait3A_86, %dma_wait3A_87] : memref<32x79x128xi32, #tpu.memory_space<hbm>> -> memref<1x79x128xi32, #tpu.memory_space<hbm>>
      %dma_wait3A_89 = tpu.memref_squeeze %dma_wait3A_88 : memref<1x79x128xi32, #tpu.memory_space<hbm>> -> memref<79x128xi32, #tpu.memory_space<hbm>>
      tpu.wait_dma2 semaphore(%run_scoped3A : memref<!tpu.dma_semaphore, #tpu.memory_space<semaphore_mem>>) src(%dma_wait3A_89 : memref<79x128xi32, #tpu.memory_space<hbm>>) dst(%arg8 : memref<79x128xi32, #tpu.memory_space<vmem>>)
      tpu.yield
    }) : () -> ()
    %mul3A_1 = arith.constant 624 : i32
    %mul3A_2 = arith.muli %arg1, %mul3A_1 : i32
    %multiple_of3A = tpu.assume_multiple %mul3A_2, 8 : i32
    %lt3A = arith.constant 15 : i32
    %lt3A_3 = arith.cmpi slt, %arg1, %lt3A : i32
    %convert_element_type3A = arith.extui %lt3A_3 : i1 to i32
    %cond3A = arith.constant 0 : i32
    %cond3A_4 = arith.cmpi ne, %convert_element_type3A, %cond3A : i32
    scf.if %cond3A_4 {
      "tpu.region"() ({
        %run_scoped3A = tpu.sem_alloc : memref<!tpu.dma_semaphore, #tpu.memory_space<semaphore_mem>>
        %dma_start3A_74 = arith.constant 0 : i32
        %dma_start3A_75 = tpu.memref_slice %arg11[%multiple_of3A, %dma_start3A_74] : memref<10000x64xf32, #tpu.memory_space<vmem_shared>> -> memref<624x64xf32, #tpu.memory_space<vmem_shared>>
        %dma_start3A_76 = arith.constant 0 : i32
        %dma_start3A_77 = tpu.memref_slice %arg2[%multiple_of3A, %dma_start3A_76] : memref<10000x64xf32, #tpu.memory_space<hbm>> -> memref<624x64xf32, #tpu.memory_space<hbm>>
        tpu.enqueue_dma source(%dma_start3A_77 : memref<624x64xf32, #tpu.memory_space<hbm>>) target(%dma_start3A_75 : memref<624x64xf32, #tpu.memory_space<vmem_shared>>) target_semaphore(%run_scoped3A : memref<!tpu.dma_semaphore, #tpu.memory_space<semaphore_mem>>)
        %dma_wait3A_78 = arith.constant 0 : i32
        %dma_wait3A_79 = tpu.memref_slice %arg11[%multiple_of3A, %dma_wait3A_78] : memref<10000x64xf32, #tpu.memory_space<vmem_shared>> -> memref<624x64xf32, #tpu.memory_space<vmem_shared>>
        %dma_wait3A_80 = arith.constant 0 : i32
        %dma_wait3A_81 = tpu.memref_slice %arg2[%multiple_of3A, %dma_wait3A_80] : memref<10000x64xf32, #tpu.memory_space<hbm>> -> memref<624x64xf32, #tpu.memory_space<hbm>>
        tpu.wait_dma2 semaphore(%run_scoped3A : memref<!tpu.dma_semaphore, #tpu.memory_space<semaphore_mem>>) src(%dma_wait3A_81 : memref<624x64xf32, #tpu.memory_space<hbm>>) dst(%dma_wait3A_79 : memref<624x64xf32, #tpu.memory_space<vmem_shared>>)
        tpu.yield
      }) : () -> ()
    } else {
    }
    %eq3A = arith.constant 15 : i32
    %eq3A_5 = arith.cmpi eq, %arg1, %eq3A : i32
    %convert_element_type3A_6 = arith.extui %eq3A_5 : i1 to i32
    %cond3A_7 = arith.constant 0 : i32
    %cond3A_8 = arith.cmpi ne, %convert_element_type3A_6, %cond3A_7 : i32
    scf.if %cond3A_8 {
      "tpu.region"() ({
        %run_scoped3A = tpu.sem_alloc : memref<!tpu.dma_semaphore, #tpu.memory_space<semaphore_mem>>
        %dma_start3A_74 = arith.constant 0 : i32
        %dma_start3A_75 = tpu.memref_slice %arg11[%multiple_of3A, %dma_start3A_74] : memref<10000x64xf32, #tpu.memory_space<vmem_shared>> -> memref<640x64xf32, #tpu.memory_space<vmem_shared>>
        %dma_start3A_76 = arith.constant 0 : i32
        %dma_start3A_77 = tpu.memref_slice %arg2[%multiple_of3A, %dma_start3A_76] : memref<10000x64xf32, #tpu.memory_space<hbm>> -> memref<640x64xf32, #tpu.memory_space<hbm>>
        tpu.enqueue_dma source(%dma_start3A_77 : memref<640x64xf32, #tpu.memory_space<hbm>>) target(%dma_start3A_75 : memref<640x64xf32, #tpu.memory_space<vmem_shared>>) target_semaphore(%run_scoped3A : memref<!tpu.dma_semaphore, #tpu.memory_space<semaphore_mem>>)
        %dma_wait3A_78 = arith.constant 0 : i32
        %dma_wait3A_79 = tpu.memref_slice %arg11[%multiple_of3A, %dma_wait3A_78] : memref<10000x64xf32, #tpu.memory_space<vmem_shared>> -> memref<640x64xf32, #tpu.memory_space<vmem_shared>>
        %dma_wait3A_80 = arith.constant 0 : i32
        %dma_wait3A_81 = tpu.memref_slice %arg2[%multiple_of3A, %dma_wait3A_80] : memref<10000x64xf32, #tpu.memory_space<hbm>> -> memref<640x64xf32, #tpu.memory_space<hbm>>
        tpu.wait_dma2 semaphore(%run_scoped3A : memref<!tpu.dma_semaphore, #tpu.memory_space<semaphore_mem>>) src(%dma_wait3A_81 : memref<640x64xf32, #tpu.memory_space<hbm>>) dst(%dma_wait3A_79 : memref<640x64xf32, #tpu.memory_space<vmem_shared>>)
        tpu.yield
      }) : () -> ()
    } else {
    }
    %mul3A_9 = arith.constant 624 : i32
    %mul3A_10 = arith.muli %arg1, %mul3A_9 : i32
    %multiple_of3A_11 = tpu.assume_multiple %mul3A_10, 8 : i32
    %lt3A_12 = arith.constant 15 : i32
    %lt3A_13 = arith.cmpi slt, %arg1, %lt3A_12 : i32
    %convert_element_type3A_14 = arith.extui %lt3A_13 : i1 to i32
    %cond3A_15 = arith.constant 0 : i32
    %cond3A_16 = arith.cmpi ne, %convert_element_type3A_14, %cond3A_15 : i32
    scf.if %cond3A_16 {
      "tpu.region"() ({
        %run_scoped3A = tpu.sem_alloc : memref<!tpu.dma_semaphore, #tpu.memory_space<semaphore_mem>>
        %dma_start3A_74 = arith.constant 0 : i32
        %dma_start3A_75 = tpu.memref_slice %arg12[%multiple_of3A_11, %dma_start3A_74] : memref<10008x64xf32, #tpu.memory_space<vmem_shared>> -> memref<624x64xf32, #tpu.memory_space<vmem_shared>>
        %dma_start3A_76 = arith.constant 0 : i32
        %dma_start3A_77 = tpu.memref_slice %arg5[%multiple_of3A_11, %dma_start3A_76] : memref<10008x64xf32, #tpu.memory_space<hbm>> -> memref<624x64xf32, #tpu.memory_space<hbm>>
        tpu.enqueue_dma source(%dma_start3A_77 : memref<624x64xf32, #tpu.memory_space<hbm>>) target(%dma_start3A_75 : memref<624x64xf32, #tpu.memory_space<vmem_shared>>) target_semaphore(%run_scoped3A : memref<!tpu.dma_semaphore, #tpu.memory_space<semaphore_mem>>)
        %dma_wait3A_78 = arith.constant 0 : i32
        %dma_wait3A_79 = tpu.memref_slice %arg12[%multiple_of3A_11, %dma_wait3A_78] : memref<10008x64xf32, #tpu.memory_space<vmem_shared>> -> memref<624x64xf32, #tpu.memory_space<vmem_shared>>
        %dma_wait3A_80 = arith.constant 0 : i32
        %dma_wait3A_81 = tpu.memref_slice %arg5[%multiple_of3A_11, %dma_wait3A_80] : memref<10008x64xf32, #tpu.memory_space<hbm>> -> memref<624x64xf32, #tpu.memory_space<hbm>>
        tpu.wait_dma2 semaphore(%run_scoped3A : memref<!tpu.dma_semaphore, #tpu.memory_space<semaphore_mem>>) src(%dma_wait3A_81 : memref<624x64xf32, #tpu.memory_space<hbm>>) dst(%dma_wait3A_79 : memref<624x64xf32, #tpu.memory_space<vmem_shared>>)
        tpu.yield
      }) : () -> ()
    } else {
    }
    %eq3A_17 = arith.constant 15 : i32
    %eq3A_18 = arith.cmpi eq, %arg1, %eq3A_17 : i32
    %convert_element_type3A_19 = arith.extui %eq3A_18 : i1 to i32
    %cond3A_20 = arith.constant 0 : i32
    %cond3A_21 = arith.cmpi ne, %convert_element_type3A_19, %cond3A_20 : i32
    scf.if %cond3A_21 {
      "tpu.region"() ({
        %run_scoped3A = tpu.sem_alloc : memref<!tpu.dma_semaphore, #tpu.memory_space<semaphore_mem>>
        %dma_start3A_74 = arith.constant 0 : i32
        %dma_start3A_75 = tpu.memref_slice %arg12[%multiple_of3A_11, %dma_start3A_74] : memref<10008x64xf32, #tpu.memory_space<vmem_shared>> -> memref<648x64xf32, #tpu.memory_space<vmem_shared>>
        %dma_start3A_76 = arith.constant 0 : i32
        %dma_start3A_77 = tpu.memref_slice %arg5[%multiple_of3A_11, %dma_start3A_76] : memref<10008x64xf32, #tpu.memory_space<hbm>> -> memref<648x64xf32, #tpu.memory_space<hbm>>
        tpu.enqueue_dma source(%dma_start3A_77 : memref<648x64xf32, #tpu.memory_space<hbm>>) target(%dma_start3A_75 : memref<648x64xf32, #tpu.memory_space<vmem_shared>>) target_semaphore(%run_scoped3A : memref<!tpu.dma_semaphore, #tpu.memory_space<semaphore_mem>>)
        %dma_wait3A_78 = arith.constant 0 : i32
        %dma_wait3A_79 = tpu.memref_slice %arg12[%multiple_of3A_11, %dma_wait3A_78] : memref<10008x64xf32, #tpu.memory_space<vmem_shared>> -> memref<648x64xf32, #tpu.memory_space<vmem_shared>>
        %dma_wait3A_80 = arith.constant 0 : i32
        %dma_wait3A_81 = tpu.memref_slice %arg5[%multiple_of3A_11, %dma_wait3A_80] : memref<10008x64xf32, #tpu.memory_space<hbm>> -> memref<648x64xf32, #tpu.memory_space<hbm>>
        tpu.wait_dma2 semaphore(%run_scoped3A : memref<!tpu.dma_semaphore, #tpu.memory_space<semaphore_mem>>) src(%dma_wait3A_81 : memref<648x64xf32, #tpu.memory_space<hbm>>) dst(%dma_wait3A_79 : memref<648x64xf32, #tpu.memory_space<vmem_shared>>)
        tpu.yield
      }) : () -> ()
    } else {
    }
    %barrier3A = arith.constant 0 : index
    tpu.barrier barrier_id(%barrier3A)
    %dma_start3A = arith.constant 0 : i32
    %dma_start3A_22 = arith.constant 0 : i32
    %dma_start3A_23 = tpu.memref_slice %arg7[%dma_start3A, %dma_start3A_22] : memref<79x128xi32, #tpu.memory_space<vmem>> -> memref<1x128xi32, #tpu.memory_space<vmem>>
    %dma_start3A_24 = tpu.memref_squeeze %dma_start3A_23 : memref<1x128xi32, #tpu.memory_space<vmem>> -> memref<128xi32, #tpu.memory_space<vmem>>
    %dma_start3A_25 = arith.constant 0 : i32
    %dma_start3A_26 = arith.constant 0 : i32
    %dma_start3A_27 = tpu.memref_slice %arg11[%dma_start3A_25, %dma_start3A_26] : memref<10000x64xf32, #tpu.memory_space<vmem_shared>> -> memref<10000x64xf32, #tpu.memory_space<vmem_shared>>
    tpu.enqueue_indirect_dma source(%dma_start3A_27 : memref<10000x64xf32, #tpu.memory_space<vmem_shared>>) target(%arg9 : memref<128x64xf32, #tpu.memory_space<vmem>>) offsets(%dma_start3A_24 : memref<128xi32, #tpu.memory_space<vmem>>) semaphore(%arg13 : memref<!tpu.dma_semaphore, #tpu.memory_space<semaphore_mem>>)
    %dma_start3A_28 = arith.constant 1 : i32
    %dma_start3A_29 = arith.constant 0 : i32
    %dma_start3A_30 = tpu.memref_slice %arg7[%dma_start3A_28, %dma_start3A_29] : memref<79x128xi32, #tpu.memory_space<vmem>> -> memref<1x128xi32, #tpu.memory_space<vmem>>
    %dma_start3A_31 = tpu.memref_squeeze %dma_start3A_30 : memref<1x128xi32, #tpu.memory_space<vmem>> -> memref<128xi32, #tpu.memory_space<vmem>>
    %dma_start3A_32 = arith.constant 0 : i32
    %dma_start3A_33 = arith.constant 0 : i32
    %dma_start3A_34 = tpu.memref_slice %arg11[%dma_start3A_32, %dma_start3A_33] : memref<10000x64xf32, #tpu.memory_space<vmem_shared>> -> memref<10000x64xf32, #tpu.memory_space<vmem_shared>>
    tpu.enqueue_indirect_dma source(%dma_start3A_34 : memref<10000x64xf32, #tpu.memory_space<vmem_shared>>) target(%arg10 : memref<128x64xf32, #tpu.memory_space<vmem>>) offsets(%dma_start3A_31 : memref<128xi32, #tpu.memory_space<vmem>>) semaphore(%arg14 : memref<!tpu.dma_semaphore, #tpu.memory_space<semaphore_mem>>)
    %scan3A = arith.constant 0 : i32
    %scan3A_35 = arith.constant 0 : i32
    %scan3A_36 = arith.constant 39 : i32
    %scan3A_37 = arith.addi %scan3A_35, %scan3A_36 : i32
    %scan3A_38 = arith.constant 1 : i32
    scf.for %scan3A_74 = %scan3A_35 to %scan3A_37 step %scan3A_38  : i32 {
      %mul3A_75 = arith.constant 2 : i32
      %mul3A_76 = arith.muli %mul3A_75, %scan3A_74 : i32
      %dma_wait3A_77 = arith.constant 0 : i32
      %dma_wait3A_78 = arith.constant 0 : i32
      %dma_wait3A_79 = tpu.memref_slice %arg7[%dma_wait3A_77, %dma_wait3A_78] : memref<79x128xi32, #tpu.memory_space<vmem>> -> memref<1x128xi32, #tpu.memory_space<vmem>>
      %dma_wait3A_80 = tpu.memref_squeeze %dma_wait3A_79 : memref<1x128xi32, #tpu.memory_space<vmem>> -> memref<128xi32, #tpu.memory_space<vmem>>
      %dma_wait3A_81 = arith.constant 0 : i32
      %dma_wait3A_82 = arith.constant 0 : i32
      %dma_wait3A_83 = tpu.memref_slice %arg11[%dma_wait3A_81, %dma_wait3A_82] : memref<10000x64xf32, #tpu.memory_space<vmem_shared>> -> memref<10000x64xf32, #tpu.memory_space<vmem_shared>>
      tpu.wait_indirect_dma semaphore(%arg13 : memref<!tpu.dma_semaphore, #tpu.memory_space<semaphore_mem>>) src(%dma_wait3A_83 : memref<10000x64xf32, #tpu.memory_space<vmem_shared>>) dst(%arg9 : memref<128x64xf32, #tpu.memory_space<vmem>>)
      %dma_start3A_84 = arith.constant 0 : i32
      %dma_start3A_85 = tpu.memref_slice %arg8[%mul3A_76, %dma_start3A_84] : memref<79x128xi32, #tpu.memory_space<vmem>> -> memref<1x128xi32, #tpu.memory_space<vmem>>
      %dma_start3A_86 = tpu.memref_squeeze %dma_start3A_85 : memref<1x128xi32, #tpu.memory_space<vmem>> -> memref<128xi32, #tpu.memory_space<vmem>>
      %dma_start3A_87 = arith.constant 0 : i32
      %dma_start3A_88 = arith.constant 0 : i32
      %dma_start3A_89 = tpu.memref_slice %arg12[%dma_start3A_87, %dma_start3A_88] : memref<10008x64xf32, #tpu.memory_space<vmem_shared>> -> memref<10008x64xf32, #tpu.memory_space<vmem_shared>>
      tpu.enqueue_indirect_dma source(%arg9 : memref<128x64xf32, #tpu.memory_space<vmem>>) target(%dma_start3A_89 : memref<10008x64xf32, #tpu.memory_space<vmem_shared>>) offsets(%dma_start3A_86 : memref<128xi32, #tpu.memory_space<vmem>>) semaphore(%arg15 : memref<!tpu.dma_semaphore, #tpu.memory_space<semaphore_mem>>) {add = true}
      %dma_wait3A_90 = arith.constant 0 : i32
      %dma_wait3A_91 = arith.constant 0 : i32
      %dma_wait3A_92 = tpu.memref_slice %arg7[%dma_wait3A_90, %dma_wait3A_91] : memref<79x128xi32, #tpu.memory_space<vmem>> -> memref<1x128xi32, #tpu.memory_space<vmem>>
      %dma_wait3A_93 = tpu.memref_squeeze %dma_wait3A_92 : memref<1x128xi32, #tpu.memory_space<vmem>> -> memref<128xi32, #tpu.memory_space<vmem>>
      %dma_wait3A_94 = arith.constant 0 : i32
      %dma_wait3A_95 = arith.constant 0 : i32
      %dma_wait3A_96 = tpu.memref_slice %arg11[%dma_wait3A_94, %dma_wait3A_95] : memref<10000x64xf32, #tpu.memory_space<vmem_shared>> -> memref<10000x64xf32, #tpu.memory_space<vmem_shared>>
      tpu.wait_indirect_dma semaphore(%arg14 : memref<!tpu.dma_semaphore, #tpu.memory_space<semaphore_mem>>) src(%dma_wait3A_96 : memref<10000x64xf32, #tpu.memory_space<vmem_shared>>) dst(%arg10 : memref<128x64xf32, #tpu.memory_space<vmem>>)
      %add3A_97 = arith.constant 1 : i32
      %add3A_98 = arith.addi %mul3A_76, %add3A_97 : i32
      %dma_start3A_99 = arith.constant 0 : i32
      %dma_start3A_100 = tpu.memref_slice %arg8[%add3A_98, %dma_start3A_99] : memref<79x128xi32, #tpu.memory_space<vmem>> -> memref<1x128xi32, #tpu.memory_space<vmem>>
      %dma_start3A_101 = tpu.memref_squeeze %dma_start3A_100 : memref<1x128xi32, #tpu.memory_space<vmem>> -> memref<128xi32, #tpu.memory_space<vmem>>
      %dma_start3A_102 = arith.constant 0 : i32
      %dma_start3A_103 = arith.constant 0 : i32
      %dma_start3A_104 = tpu.memref_slice %arg12[%dma_start3A_102, %dma_start3A_103] : memref<10008x64xf32, #tpu.memory_space<vmem_shared>> -> memref<10008x64xf32, #tpu.memory_space<vmem_shared>>
      tpu.enqueue_indirect_dma source(%arg10 : memref<128x64xf32, #tpu.memory_space<vmem>>) target(%dma_start3A_104 : memref<10008x64xf32, #tpu.memory_space<vmem_shared>>) offsets(%dma_start3A_101 : memref<128xi32, #tpu.memory_space<vmem>>) semaphore(%arg16 : memref<!tpu.dma_semaphore, #tpu.memory_space<semaphore_mem>>) {add = true}
      %dma_wait3A_105 = arith.constant 0 : i32
      %dma_wait3A_106 = arith.constant 0 : i32
      %dma_wait3A_107 = tpu.memref_slice %arg8[%dma_wait3A_105, %dma_wait3A_106] : memref<79x128xi32, #tpu.memory_space<vmem>> -> memref<1x128xi32, #tpu.memory_space<vmem>>
      %dma_wait3A_108 = tpu.memref_squeeze %dma_wait3A_107 : memref<1x128xi32, #tpu.memory_space<vmem>> -> memref<128xi32, #tpu.memory_space<vmem>>
      %dma_wait3A_109 = arith.constant 0 : i32
      %dma_wait3A_110 = arith.constant 0 : i32
      %dma_wait3A_111 = tpu.memref_slice %arg12[%dma_wait3A_109, %dma_wait3A_110] : memref<10008x64xf32, #tpu.memory_space<vmem_shared>> -> memref<10008x64xf32, #tpu.memory_space<vmem_shared>>
      tpu.wait_indirect_dma semaphore(%arg15 : memref<!tpu.dma_semaphore, #tpu.memory_space<semaphore_mem>>) src(%arg9 : memref<128x64xf32, #tpu.memory_space<vmem>>) dst(%dma_wait3A_111 : memref<10008x64xf32, #tpu.memory_space<vmem_shared>>)
      %add3A_112 = arith.constant 2 : i32
      %add3A_113 = arith.addi %mul3A_76, %add3A_112 : i32
      %lt3A_114 = arith.constant 79 : i32
      %lt3A_115 = arith.cmpi slt, %add3A_113, %lt3A_114 : i32
      %convert_element_type3A_116 = arith.extui %lt3A_115 : i1 to i32
      %cond3A_117 = arith.constant 0 : i32
      %cond3A_118 = arith.cmpi ne, %convert_element_type3A_116, %cond3A_117 : i32
      scf.if %cond3A_118 {
        %add3A_133 = arith.constant 2 : i32
        %add3A_134 = arith.addi %mul3A_76, %add3A_133 : i32
        %dma_start3A_135 = arith.constant 0 : i32
        %dma_start3A_136 = tpu.memref_slice %arg7[%add3A_134, %dma_start3A_135] : memref<79x128xi32, #tpu.memory_space<vmem>> -> memref<1x128xi32, #tpu.memory_space<vmem>>
        %dma_start3A_137 = tpu.memref_squeeze %dma_start3A_136 : memref<1x128xi32, #tpu.memory_space<vmem>> -> memref<128xi32, #tpu.memory_space<vmem>>
        %dma_start3A_138 = arith.constant 0 : i32
        %dma_start3A_139 = arith.constant 0 : i32
        %dma_start3A_140 = tpu.memref_slice %arg11[%dma_start3A_138, %dma_start3A_139] : memref<10000x64xf32, #tpu.memory_space<vmem_shared>> -> memref<10000x64xf32, #tpu.memory_space<vmem_shared>>
        tpu.enqueue_indirect_dma source(%dma_start3A_140 : memref<10000x64xf32, #tpu.memory_space<vmem_shared>>) target(%arg9 : memref<128x64xf32, #tpu.memory_space<vmem>>) offsets(%dma_start3A_137 : memref<128xi32, #tpu.memory_space<vmem>>) semaphore(%arg13 : memref<!tpu.dma_semaphore, #tpu.memory_space<semaphore_mem>>)
      } else {
      }
      %dma_wait3A_119 = arith.constant 0 : i32
      %dma_wait3A_120 = arith.constant 0 : i32
      %dma_wait3A_121 = tpu.memref_slice %arg8[%dma_wait3A_119, %dma_wait3A_120] : memref<79x128xi32, #tpu.memory_space<vmem>> -> memref<1x128xi32, #tpu.memory_space<vmem>>
      %dma_wait3A_122 = tpu.memref_squeeze %dma_wait3A_121 : memref<1x128xi32, #tpu.memory_space<vmem>> -> memref<128xi32, #tpu.memory_space<vmem>>
      %dma_wait3A_123 = arith.constant 0 : i32
      %dma_wait3A_124 = arith.constant 0 : i32
      %dma_wait3A_125 = tpu.memref_slice %arg12[%dma_wait3A_123, %dma_wait3A_124] : memref<10008x64xf32, #tpu.memory_space<vmem_shared>> -> memref<10008x64xf32, #tpu.memory_space<vmem_shared>>
      tpu.wait_indirect_dma semaphore(%arg16 : memref<!tpu.dma_semaphore, #tpu.memory_space<semaphore_mem>>) src(%arg10 : memref<128x64xf32, #tpu.memory_space<vmem>>) dst(%dma_wait3A_125 : memref<10008x64xf32, #tpu.memory_space<vmem_shared>>)
      %add3A_126 = arith.constant 3 : i32
      %add3A_127 = arith.addi %mul3A_76, %add3A_126 : i32
      %lt3A_128 = arith.constant 79 : i32
      %lt3A_129 = arith.cmpi slt, %add3A_127, %lt3A_128 : i32
      %convert_element_type3A_130 = arith.extui %lt3A_129 : i1 to i32
      %cond3A_131 = arith.constant 0 : i32
      %cond3A_132 = arith.cmpi ne, %convert_element_type3A_130, %cond3A_131 : i32
      scf.if %cond3A_132 {
        %add3A_133 = arith.constant 3 : i32
        %add3A_134 = arith.addi %mul3A_76, %add3A_133 : i32
        %dma_start3A_135 = arith.constant 0 : i32
        %dma_start3A_136 = tpu.memref_slice %arg7[%add3A_134, %dma_start3A_135] : memref<79x128xi32, #tpu.memory_space<vmem>> -> memref<1x128xi32, #tpu.memory_space<vmem>>
        %dma_start3A_137 = tpu.memref_squeeze %dma_start3A_136 : memref<1x128xi32, #tpu.memory_space<vmem>> -> memref<128xi32, #tpu.memory_space<vmem>>
        %dma_start3A_138 = arith.constant 0 : i32
        %dma_start3A_139 = arith.constant 0 : i32
        %dma_start3A_140 = tpu.memref_slice %arg11[%dma_start3A_138, %dma_start3A_139] : memref<10000x64xf32, #tpu.memory_space<vmem_shared>> -> memref<10000x64xf32, #tpu.memory_space<vmem_shared>>
        tpu.enqueue_indirect_dma source(%dma_start3A_140 : memref<10000x64xf32, #tpu.memory_space<vmem_shared>>) target(%arg10 : memref<128x64xf32, #tpu.memory_space<vmem>>) offsets(%dma_start3A_137 : memref<128xi32, #tpu.memory_space<vmem>>) semaphore(%arg14 : memref<!tpu.dma_semaphore, #tpu.memory_space<semaphore_mem>>)
      } else {
      }
    }
    %scan3A_39 = arith.constant 39 : i32
    %dma_wait3A = arith.constant 0 : i32
    %dma_wait3A_40 = arith.constant 0 : i32
    %dma_wait3A_41 = tpu.memref_slice %arg7[%dma_wait3A, %dma_wait3A_40] : memref<79x128xi32, #tpu.memory_space<vmem>> -> memref<1x128xi32, #tpu.memory_space<vmem>>
    %dma_wait3A_42 = tpu.memref_squeeze %dma_wait3A_41 : memref<1x128xi32, #tpu.memory_space<vmem>> -> memref<128xi32, #tpu.memory_space<vmem>>
    %dma_wait3A_43 = arith.constant 0 : i32
    %dma_wait3A_44 = arith.constant 0 : i32
    %dma_wait3A_45 = tpu.memref_slice %arg11[%dma_wait3A_43, %dma_wait3A_44] : memref<10000x64xf32, #tpu.memory_space<vmem_shared>> -> memref<10000x64xf32, #tpu.memory_space<vmem_shared>>
    tpu.wait_indirect_dma semaphore(%arg13 : memref<!tpu.dma_semaphore, #tpu.memory_space<semaphore_mem>>) src(%dma_wait3A_45 : memref<10000x64xf32, #tpu.memory_space<vmem_shared>>) dst(%arg9 : memref<128x64xf32, #tpu.memory_space<vmem>>)
    %dma_start3A_46 = arith.constant 78 : i32
    %dma_start3A_47 = arith.constant 0 : i32
    %dma_start3A_48 = tpu.memref_slice %arg8[%dma_start3A_46, %dma_start3A_47] : memref<79x128xi32, #tpu.memory_space<vmem>> -> memref<1x128xi32, #tpu.memory_space<vmem>>
    %dma_start3A_49 = tpu.memref_squeeze %dma_start3A_48 : memref<1x128xi32, #tpu.memory_space<vmem>> -> memref<128xi32, #tpu.memory_space<vmem>>
    %dma_start3A_50 = arith.constant 0 : i32
    %dma_start3A_51 = arith.constant 0 : i32
    %dma_start3A_52 = tpu.memref_slice %arg12[%dma_start3A_50, %dma_start3A_51] : memref<10008x64xf32, #tpu.memory_space<vmem_shared>> -> memref<10008x64xf32, #tpu.memory_space<vmem_shared>>
    tpu.enqueue_indirect_dma source(%arg9 : memref<128x64xf32, #tpu.memory_space<vmem>>) target(%dma_start3A_52 : memref<10008x64xf32, #tpu.memory_space<vmem_shared>>) offsets(%dma_start3A_49 : memref<128xi32, #tpu.memory_space<vmem>>) semaphore(%arg15 : memref<!tpu.dma_semaphore, #tpu.memory_space<semaphore_mem>>) {add = true}
    %dma_wait3A_53 = arith.constant 0 : i32
    %dma_wait3A_54 = arith.constant 0 : i32
    %dma_wait3A_55 = tpu.memref_slice %arg8[%dma_wait3A_53, %dma_wait3A_54] : memref<79x128xi32, #tpu.memory_space<vmem>> -> memref<1x128xi32, #tpu.memory_space<vmem>>
    %dma_wait3A_56 = tpu.memref_squeeze %dma_wait3A_55 : memref<1x128xi32, #tpu.memory_space<vmem>> -> memref<128xi32, #tpu.memory_space<vmem>>
    %dma_wait3A_57 = arith.constant 0 : i32
    %dma_wait3A_58 = arith.constant 0 : i32
    %dma_wait3A_59 = tpu.memref_slice %arg12[%dma_wait3A_57, %dma_wait3A_58] : memref<10008x64xf32, #tpu.memory_space<vmem_shared>> -> memref<10008x64xf32, #tpu.memory_space<vmem_shared>>
    tpu.wait_indirect_dma semaphore(%arg15 : memref<!tpu.dma_semaphore, #tpu.memory_space<semaphore_mem>>) src(%arg9 : memref<128x64xf32, #tpu.memory_space<vmem>>) dst(%dma_wait3A_59 : memref<10008x64xf32, #tpu.memory_space<vmem_shared>>)
    %barrier3A_60 = arith.constant 0 : index
    tpu.barrier barrier_id(%barrier3A_60)
    %mul3A_61 = arith.constant 624 : i32
    %mul3A_62 = arith.muli %arg1, %mul3A_61 : i32
    %multiple_of3A_63 = tpu.assume_multiple %mul3A_62, 8 : i32
    %lt3A_64 = arith.constant 15 : i32
    %lt3A_65 = arith.cmpi slt, %arg1, %lt3A_64 : i32
    %convert_element_type3A_66 = arith.extui %lt3A_65 : i1 to i32
    %cond3A_67 = arith.constant 0 : i32
    %cond3A_68 = arith.cmpi ne, %convert_element_type3A_66, %cond3A_67 : i32
    scf.if %cond3A_68 {
      "tpu.region"() ({
        %run_scoped3A = tpu.sem_alloc : memref<!tpu.dma_semaphore, #tpu.memory_space<semaphore_mem>>
        %dma_start3A_74 = arith.constant 0 : i32
        %dma_start3A_75 = tpu.memref_slice %arg6[%arg0, %multiple_of3A_63, %dma_start3A_74] : memref<2x10000x64xf32, #tpu.memory_space<hbm>> -> memref<1x624x64xf32, #tpu.memory_space<hbm>>
        %dma_start3A_76 = tpu.memref_squeeze %dma_start3A_75 : memref<1x624x64xf32, #tpu.memory_space<hbm>> -> memref<624x64xf32, #tpu.memory_space<hbm>>
        %dma_start3A_77 = arith.constant 0 : i32
        %dma_start3A_78 = tpu.memref_slice %arg12[%multiple_of3A_63, %dma_start3A_77] : memref<10008x64xf32, #tpu.memory_space<vmem_shared>> -> memref<624x64xf32, #tpu.memory_space<vmem_shared>>
        tpu.enqueue_dma source(%dma_start3A_78 : memref<624x64xf32, #tpu.memory_space<vmem_shared>>) target(%dma_start3A_76 : memref<624x64xf32, #tpu.memory_space<hbm>>) target_semaphore(%run_scoped3A : memref<!tpu.dma_semaphore, #tpu.memory_space<semaphore_mem>>)
        %dma_wait3A_79 = arith.constant 0 : i32
        %dma_wait3A_80 = tpu.memref_slice %arg6[%arg0, %multiple_of3A_63, %dma_wait3A_79] : memref<2x10000x64xf32, #tpu.memory_space<hbm>> -> memref<1x624x64xf32, #tpu.memory_space<hbm>>
        %dma_wait3A_81 = tpu.memref_squeeze %dma_wait3A_80 : memref<1x624x64xf32, #tpu.memory_space<hbm>> -> memref<624x64xf32, #tpu.memory_space<hbm>>
        %dma_wait3A_82 = arith.constant 0 : i32
        %dma_wait3A_83 = tpu.memref_slice %arg12[%multiple_of3A_63, %dma_wait3A_82] : memref<10008x64xf32, #tpu.memory_space<vmem_shared>> -> memref<624x64xf32, #tpu.memory_space<vmem_shared>>
        tpu.wait_dma2 semaphore(%run_scoped3A : memref<!tpu.dma_semaphore, #tpu.memory_space<semaphore_mem>>) src(%dma_wait3A_83 : memref<624x64xf32, #tpu.memory_space<vmem_shared>>) dst(%dma_wait3A_81 : memref<624x64xf32, #tpu.memory_space<hbm>>)
        tpu.yield
      }) : () -> ()
    } else {
    }
    %eq3A_69 = arith.constant 15 : i32
    %eq3A_70 = arith.cmpi eq, %arg1, %eq3A_69 : i32
    %convert_element_type3A_71 = arith.extui %eq3A_70 : i1 to i32
    %cond3A_72 = arith.constant 0 : i32
    %cond3A_73 = arith.cmpi ne, %convert_element_type3A_71, %cond3A_72 : i32
    scf.if %cond3A_73 {
      "tpu.region"() ({
        %run_scoped3A = tpu.sem_alloc : memref<!tpu.dma_semaphore, #tpu.memory_space<semaphore_mem>>
        %dma_start3A_74 = arith.constant 0 : i32
        %dma_start3A_75 = tpu.memref_slice %arg6[%arg0, %multiple_of3A_63, %dma_start3A_74] : memref<2x10000x64xf32, #tpu.memory_space<hbm>> -> memref<1x640x64xf32, #tpu.memory_space<hbm>>
        %dma_start3A_76 = tpu.memref_squeeze %dma_start3A_75 : memref<1x640x64xf32, #tpu.memory_space<hbm>> -> memref<640x64xf32, #tpu.memory_space<hbm>>
        %dma_start3A_77 = arith.constant 0 : i32
        %dma_start3A_78 = tpu.memref_slice %arg12[%multiple_of3A_63, %dma_start3A_77] : memref<10008x64xf32, #tpu.memory_space<vmem_shared>> -> memref<640x64xf32, #tpu.memory_space<vmem_shared>>
        tpu.enqueue_dma source(%dma_start3A_78 : memref<640x64xf32, #tpu.memory_space<vmem_shared>>) target(%dma_start3A_76 : memref<640x64xf32, #tpu.memory_space<hbm>>) target_semaphore(%run_scoped3A : memref<!tpu.dma_semaphore, #tpu.memory_space<semaphore_mem>>)
        %dma_wait3A_79 = arith.constant 0 : i32
        %dma_wait3A_80 = tpu.memref_slice %arg6[%arg0, %multiple_of3A_63, %dma_wait3A_79] : memref<2x10000x64xf32, #tpu.memory_space<hbm>> -> memref<1x640x64xf32, #tpu.memory_space<hbm>>
        %dma_wait3A_81 = tpu.memref_squeeze %dma_wait3A_80 : memref<1x640x64xf32, #tpu.memory_space<hbm>> -> memref<640x64xf32, #tpu.memory_space<hbm>>
        %dma_wait3A_82 = arith.constant 0 : i32
        %dma_wait3A_83 = tpu.memref_slice %arg12[%multiple_of3A_63, %dma_wait3A_82] : memref<10008x64xf32, #tpu.memory_space<vmem_shared>> -> memref<640x64xf32, #tpu.memory_space<vmem_shared>>
        tpu.wait_dma2 semaphore(%run_scoped3A : memref<!tpu.dma_semaphore, #tpu.memory_space<semaphore_mem>>) src(%dma_wait3A_83 : memref<640x64xf32, #tpu.memory_space<vmem_shared>>) dst(%dma_wait3A_81 : memref<640x64xf32, #tpu.memory_space<hbm>>)
        tpu.yield
      }) : () -> ()
    } else {
    }
    return
  }
}

#map = affine_map<(d0, d1) -> (0, 0, 0)>
#map1 = affine_map<(d0, d1) -> (0, 0)>
module attributes {stable_mosaic.version = 14 : i64} {
  func.func @_deg_body(%arg0: i32, %arg1: i32, %arg2: memref<32x79x128xi32, #tpu.memory_space<hbm>>, %arg3: memref<10008x8xf32, #tpu.memory_space<hbm>>, %arg4: memref<128x8xf32, #tpu.memory_space<hbm>>, %arg5: memref<2x10000x8xf32, #tpu.memory_space<hbm>>, %arg6: memref<79x128xi32, #tpu.memory_space<vmem>>, %arg7: memref<128x8xf32, #tpu.memory_space<vmem>>, %arg8: memref<10008x8xf32, #tpu.memory_space<vmem_shared>>, %arg9: memref<!tpu.dma_semaphore, #tpu.memory_space<semaphore_mem>>) attributes {dimension_semantics = [#tpu.dimension_semantics<core_parallel>, #tpu.dimension_semantics<subcore_parallel>], iteration_bounds = array<i64: 2, 16>, scalar_prefetch = 0 : i64, scratch_operands = 4 : i64, tpu.core_type = #tpu.core_type<sc_vector_subcore>, window_params = [{transform_indices = #map}, {transform_indices = #map1}, {transform_indices = #map1}, {transform_indices = #map}]} {
    %mul3A = arith.constant 16 : i32
    %mul3A_0 = arith.muli %arg0, %mul3A : i32
    %add3A = arith.addi %mul3A_0, %arg1 : i32
    "tpu.region"() ({
      %run_scoped3A = tpu.sem_alloc : memref<!tpu.dma_semaphore, #tpu.memory_space<semaphore_mem>>
      %dma_start3A = arith.constant 0 : i32
      %dma_start3A_34 = arith.constant 0 : i32
      %dma_start3A_35 = tpu.memref_slice %arg2[%add3A, %dma_start3A, %dma_start3A_34] : memref<32x79x128xi32, #tpu.memory_space<hbm>> -> memref<1x79x128xi32, #tpu.memory_space<hbm>>
      %dma_start3A_36 = tpu.memref_squeeze %dma_start3A_35 : memref<1x79x128xi32, #tpu.memory_space<hbm>> -> memref<79x128xi32, #tpu.memory_space<hbm>>
      %dma_start3A_37 = arith.constant 0 : i32
      %dma_start3A_38 = arith.constant 0 : i32
      %dma_start3A_39 = tpu.memref_slice %arg2[%add3A, %dma_start3A_37, %dma_start3A_38] : memref<32x79x128xi32, #tpu.memory_space<hbm>> -> memref<1x79x128xi32, #tpu.memory_space<hbm>>
      %dma_start3A_40 = tpu.memref_squeeze %dma_start3A_39 : memref<1x79x128xi32, #tpu.memory_space<hbm>> -> memref<79x128xi32, #tpu.memory_space<hbm>>
      tpu.enqueue_dma source(%dma_start3A_40 : memref<79x128xi32, #tpu.memory_space<hbm>>) target(%arg6 : memref<79x128xi32, #tpu.memory_space<vmem>>) target_semaphore(%run_scoped3A : memref<!tpu.dma_semaphore, #tpu.memory_space<semaphore_mem>>)
      %dma_wait3A = arith.constant 0 : i32
      %dma_wait3A_41 = arith.constant 0 : i32
      %dma_wait3A_42 = tpu.memref_slice %arg2[%add3A, %dma_wait3A, %dma_wait3A_41] : memref<32x79x128xi32, #tpu.memory_space<hbm>> -> memref<1x79x128xi32, #tpu.memory_space<hbm>>
      %dma_wait3A_43 = tpu.memref_squeeze %dma_wait3A_42 : memref<1x79x128xi32, #tpu.memory_space<hbm>> -> memref<79x128xi32, #tpu.memory_space<hbm>>
      %dma_wait3A_44 = arith.constant 0 : i32
      %dma_wait3A_45 = arith.constant 0 : i32
      %dma_wait3A_46 = tpu.memref_slice %arg2[%add3A, %dma_wait3A_44, %dma_wait3A_45] : memref<32x79x128xi32, #tpu.memory_space<hbm>> -> memref<1x79x128xi32, #tpu.memory_space<hbm>>
      %dma_wait3A_47 = tpu.memref_squeeze %dma_wait3A_46 : memref<1x79x128xi32, #tpu.memory_space<hbm>> -> memref<79x128xi32, #tpu.memory_space<hbm>>
      tpu.wait_dma2 semaphore(%run_scoped3A : memref<!tpu.dma_semaphore, #tpu.memory_space<semaphore_mem>>) src(%dma_wait3A_47 : memref<79x128xi32, #tpu.memory_space<hbm>>) dst(%arg6 : memref<79x128xi32, #tpu.memory_space<vmem>>)
      tpu.yield
    }) : () -> ()
    "tpu.region"() ({
      %run_scoped3A = tpu.sem_alloc : memref<!tpu.dma_semaphore, #tpu.memory_space<semaphore_mem>>
      tpu.enqueue_dma source(%arg4 : memref<128x8xf32, #tpu.memory_space<hbm>>) target(%arg7 : memref<128x8xf32, #tpu.memory_space<vmem>>) target_semaphore(%run_scoped3A : memref<!tpu.dma_semaphore, #tpu.memory_space<semaphore_mem>>)
      tpu.wait_dma2 semaphore(%run_scoped3A : memref<!tpu.dma_semaphore, #tpu.memory_space<semaphore_mem>>) src(%arg4 : memref<128x8xf32, #tpu.memory_space<hbm>>) dst(%arg7 : memref<128x8xf32, #tpu.memory_space<vmem>>)
      tpu.yield
    }) : () -> ()
    %mul3A_1 = arith.constant 624 : i32
    %mul3A_2 = arith.muli %arg1, %mul3A_1 : i32
    %multiple_of3A = tpu.assume_multiple %mul3A_2, 8 : i32
    %lt3A = arith.constant 15 : i32
    %lt3A_3 = arith.cmpi slt, %arg1, %lt3A : i32
    %convert_element_type3A = arith.extui %lt3A_3 : i1 to i32
    %cond3A = arith.constant 0 : i32
    %cond3A_4 = arith.cmpi ne, %convert_element_type3A, %cond3A : i32
    scf.if %cond3A_4 {
      "tpu.region"() ({
        %run_scoped3A = tpu.sem_alloc : memref<!tpu.dma_semaphore, #tpu.memory_space<semaphore_mem>>
        %dma_start3A = arith.constant 0 : i32
        %dma_start3A_34 = tpu.memref_slice %arg8[%multiple_of3A, %dma_start3A] : memref<10008x8xf32, #tpu.memory_space<vmem_shared>> -> memref<624x8xf32, #tpu.memory_space<vmem_shared>>
        %dma_start3A_35 = arith.constant 0 : i32
        %dma_start3A_36 = tpu.memref_slice %arg3[%multiple_of3A, %dma_start3A_35] : memref<10008x8xf32, #tpu.memory_space<hbm>> -> memref<624x8xf32, #tpu.memory_space<hbm>>
        tpu.enqueue_dma source(%dma_start3A_36 : memref<624x8xf32, #tpu.memory_space<hbm>>) target(%dma_start3A_34 : memref<624x8xf32, #tpu.memory_space<vmem_shared>>) target_semaphore(%run_scoped3A : memref<!tpu.dma_semaphore, #tpu.memory_space<semaphore_mem>>)
        %dma_wait3A = arith.constant 0 : i32
        %dma_wait3A_37 = tpu.memref_slice %arg8[%multiple_of3A, %dma_wait3A] : memref<10008x8xf32, #tpu.memory_space<vmem_shared>> -> memref<624x8xf32, #tpu.memory_space<vmem_shared>>
        %dma_wait3A_38 = arith.constant 0 : i32
        %dma_wait3A_39 = tpu.memref_slice %arg3[%multiple_of3A, %dma_wait3A_38] : memref<10008x8xf32, #tpu.memory_space<hbm>> -> memref<624x8xf32, #tpu.memory_space<hbm>>
        tpu.wait_dma2 semaphore(%run_scoped3A : memref<!tpu.dma_semaphore, #tpu.memory_space<semaphore_mem>>) src(%dma_wait3A_39 : memref<624x8xf32, #tpu.memory_space<hbm>>) dst(%dma_wait3A_37 : memref<624x8xf32, #tpu.memory_space<vmem_shared>>)
        tpu.yield
      }) : () -> ()
    } else {
    }
    %eq3A = arith.constant 15 : i32
    %eq3A_5 = arith.cmpi eq, %arg1, %eq3A : i32
    %convert_element_type3A_6 = arith.extui %eq3A_5 : i1 to i32
    %cond3A_7 = arith.constant 0 : i32
    %cond3A_8 = arith.cmpi ne, %convert_element_type3A_6, %cond3A_7 : i32
    scf.if %cond3A_8 {
      "tpu.region"() ({
        %run_scoped3A = tpu.sem_alloc : memref<!tpu.dma_semaphore, #tpu.memory_space<semaphore_mem>>
        %dma_start3A = arith.constant 0 : i32
        %dma_start3A_34 = tpu.memref_slice %arg8[%multiple_of3A, %dma_start3A] : memref<10008x8xf32, #tpu.memory_space<vmem_shared>> -> memref<648x8xf32, #tpu.memory_space<vmem_shared>>
        %dma_start3A_35 = arith.constant 0 : i32
        %dma_start3A_36 = tpu.memref_slice %arg3[%multiple_of3A, %dma_start3A_35] : memref<10008x8xf32, #tpu.memory_space<hbm>> -> memref<648x8xf32, #tpu.memory_space<hbm>>
        tpu.enqueue_dma source(%dma_start3A_36 : memref<648x8xf32, #tpu.memory_space<hbm>>) target(%dma_start3A_34 : memref<648x8xf32, #tpu.memory_space<vmem_shared>>) target_semaphore(%run_scoped3A : memref<!tpu.dma_semaphore, #tpu.memory_space<semaphore_mem>>)
        %dma_wait3A = arith.constant 0 : i32
        %dma_wait3A_37 = tpu.memref_slice %arg8[%multiple_of3A, %dma_wait3A] : memref<10008x8xf32, #tpu.memory_space<vmem_shared>> -> memref<648x8xf32, #tpu.memory_space<vmem_shared>>
        %dma_wait3A_38 = arith.constant 0 : i32
        %dma_wait3A_39 = tpu.memref_slice %arg3[%multiple_of3A, %dma_wait3A_38] : memref<10008x8xf32, #tpu.memory_space<hbm>> -> memref<648x8xf32, #tpu.memory_space<hbm>>
        tpu.wait_dma2 semaphore(%run_scoped3A : memref<!tpu.dma_semaphore, #tpu.memory_space<semaphore_mem>>) src(%dma_wait3A_39 : memref<648x8xf32, #tpu.memory_space<hbm>>) dst(%dma_wait3A_37 : memref<648x8xf32, #tpu.memory_space<vmem_shared>>)
        tpu.yield
      }) : () -> ()
    } else {
    }
    %barrier3A = arith.constant 0 : index
    tpu.barrier barrier_id(%barrier3A)
    %scan3A = arith.constant 0 : i32
    %scan3A_9 = arith.constant 0 : i32
    %scan3A_10 = arith.constant 79 : i32
    %scan3A_11 = arith.addi %scan3A_9, %scan3A_10 : i32
    %scan3A_12 = arith.constant 1 : i32
    scf.for %scan3A_34 = %scan3A_9 to %scan3A_11 step %scan3A_12  : i32 {
      %dma_start3A = arith.constant 0 : i32
      %dma_start3A_35 = tpu.memref_slice %arg6[%scan3A_34, %dma_start3A] : memref<79x128xi32, #tpu.memory_space<vmem>> -> memref<1x128xi32, #tpu.memory_space<vmem>>
      %dma_start3A_36 = tpu.memref_squeeze %dma_start3A_35 : memref<1x128xi32, #tpu.memory_space<vmem>> -> memref<128xi32, #tpu.memory_space<vmem>>
      %dma_start3A_37 = arith.constant 0 : i32
      %dma_start3A_38 = arith.constant 0 : i32
      %dma_start3A_39 = tpu.memref_slice %arg8[%dma_start3A_37, %dma_start3A_38] : memref<10008x8xf32, #tpu.memory_space<vmem_shared>> -> memref<10008x8xf32, #tpu.memory_space<vmem_shared>>
      tpu.enqueue_indirect_dma source(%arg7 : memref<128x8xf32, #tpu.memory_space<vmem>>) target(%dma_start3A_39 : memref<10008x8xf32, #tpu.memory_space<vmem_shared>>) offsets(%dma_start3A_36 : memref<128xi32, #tpu.memory_space<vmem>>) semaphore(%arg9 : memref<!tpu.dma_semaphore, #tpu.memory_space<semaphore_mem>>) {add = true}
    }
    %scan3A_13 = arith.constant 79 : i32
    %scan3A_14 = arith.constant 0 : i32
    %scan3A_15 = arith.constant 0 : i32
    %scan3A_16 = arith.constant 79 : i32
    %scan3A_17 = arith.addi %scan3A_15, %scan3A_16 : i32
    %scan3A_18 = arith.constant 1 : i32
    scf.for %scan3A_34 = %scan3A_15 to %scan3A_17 step %scan3A_18  : i32 {
      %dma_wait3A = arith.constant 0 : i32
      %dma_wait3A_35 = arith.constant 0 : i32
      %dma_wait3A_36 = tpu.memref_slice %arg6[%dma_wait3A, %dma_wait3A_35] : memref<79x128xi32, #tpu.memory_space<vmem>> -> memref<1x128xi32, #tpu.memory_space<vmem>>
      %dma_wait3A_37 = tpu.memref_squeeze %dma_wait3A_36 : memref<1x128xi32, #tpu.memory_space<vmem>> -> memref<128xi32, #tpu.memory_space<vmem>>
      %dma_wait3A_38 = arith.constant 0 : i32
      %dma_wait3A_39 = arith.constant 0 : i32
      %dma_wait3A_40 = tpu.memref_slice %arg8[%dma_wait3A_38, %dma_wait3A_39] : memref<10008x8xf32, #tpu.memory_space<vmem_shared>> -> memref<10008x8xf32, #tpu.memory_space<vmem_shared>>
      tpu.wait_indirect_dma semaphore(%arg9 : memref<!tpu.dma_semaphore, #tpu.memory_space<semaphore_mem>>) src(%arg7 : memref<128x8xf32, #tpu.memory_space<vmem>>) dst(%dma_wait3A_40 : memref<10008x8xf32, #tpu.memory_space<vmem_shared>>)
    }
    %scan3A_19 = arith.constant 79 : i32
    %barrier3A_20 = arith.constant 0 : index
    tpu.barrier barrier_id(%barrier3A_20)
    %mul3A_21 = arith.constant 624 : i32
    %mul3A_22 = arith.muli %arg1, %mul3A_21 : i32
    %multiple_of3A_23 = tpu.assume_multiple %mul3A_22, 8 : i32
    %lt3A_24 = arith.constant 15 : i32
    %lt3A_25 = arith.cmpi slt, %arg1, %lt3A_24 : i32
    %convert_element_type3A_26 = arith.extui %lt3A_25 : i1 to i32
    %cond3A_27 = arith.constant 0 : i32
    %cond3A_28 = arith.cmpi ne, %convert_element_type3A_26, %cond3A_27 : i32
    scf.if %cond3A_28 {
      "tpu.region"() ({
        %run_scoped3A = tpu.sem_alloc : memref<!tpu.dma_semaphore, #tpu.memory_space<semaphore_mem>>
        %dma_start3A = arith.constant 0 : i32
        %dma_start3A_34 = tpu.memref_slice %arg5[%arg0, %multiple_of3A_23, %dma_start3A] : memref<2x10000x8xf32, #tpu.memory_space<hbm>> -> memref<1x624x8xf32, #tpu.memory_space<hbm>>
        %dma_start3A_35 = tpu.memref_squeeze %dma_start3A_34 : memref<1x624x8xf32, #tpu.memory_space<hbm>> -> memref<624x8xf32, #tpu.memory_space<hbm>>
        %dma_start3A_36 = arith.constant 0 : i32
        %dma_start3A_37 = tpu.memref_slice %arg8[%multiple_of3A_23, %dma_start3A_36] : memref<10008x8xf32, #tpu.memory_space<vmem_shared>> -> memref<624x8xf32, #tpu.memory_space<vmem_shared>>
        tpu.enqueue_dma source(%dma_start3A_37 : memref<624x8xf32, #tpu.memory_space<vmem_shared>>) target(%dma_start3A_35 : memref<624x8xf32, #tpu.memory_space<hbm>>) target_semaphore(%run_scoped3A : memref<!tpu.dma_semaphore, #tpu.memory_space<semaphore_mem>>)
        %dma_wait3A = arith.constant 0 : i32
        %dma_wait3A_38 = tpu.memref_slice %arg5[%arg0, %multiple_of3A_23, %dma_wait3A] : memref<2x10000x8xf32, #tpu.memory_space<hbm>> -> memref<1x624x8xf32, #tpu.memory_space<hbm>>
        %dma_wait3A_39 = tpu.memref_squeeze %dma_wait3A_38 : memref<1x624x8xf32, #tpu.memory_space<hbm>> -> memref<624x8xf32, #tpu.memory_space<hbm>>
        %dma_wait3A_40 = arith.constant 0 : i32
        %dma_wait3A_41 = tpu.memref_slice %arg8[%multiple_of3A_23, %dma_wait3A_40] : memref<10008x8xf32, #tpu.memory_space<vmem_shared>> -> memref<624x8xf32, #tpu.memory_space<vmem_shared>>
        tpu.wait_dma2 semaphore(%run_scoped3A : memref<!tpu.dma_semaphore, #tpu.memory_space<semaphore_mem>>) src(%dma_wait3A_41 : memref<624x8xf32, #tpu.memory_space<vmem_shared>>) dst(%dma_wait3A_39 : memref<624x8xf32, #tpu.memory_space<hbm>>)
        tpu.yield
      }) : () -> ()
    } else {
    }
    %eq3A_29 = arith.constant 15 : i32
    %eq3A_30 = arith.cmpi eq, %arg1, %eq3A_29 : i32
    %convert_element_type3A_31 = arith.extui %eq3A_30 : i1 to i32
    %cond3A_32 = arith.constant 0 : i32
    %cond3A_33 = arith.cmpi ne, %convert_element_type3A_31, %cond3A_32 : i32
    scf.if %cond3A_33 {
      "tpu.region"() ({
        %run_scoped3A = tpu.sem_alloc : memref<!tpu.dma_semaphore, #tpu.memory_space<semaphore_mem>>
        %dma_start3A = arith.constant 0 : i32
        %dma_start3A_34 = tpu.memref_slice %arg5[%arg0, %multiple_of3A_23, %dma_start3A] : memref<2x10000x8xf32, #tpu.memory_space<hbm>> -> memref<1x640x8xf32, #tpu.memory_space<hbm>>
        %dma_start3A_35 = tpu.memref_squeeze %dma_start3A_34 : memref<1x640x8xf32, #tpu.memory_space<hbm>> -> memref<640x8xf32, #tpu.memory_space<hbm>>
        %dma_start3A_36 = arith.constant 0 : i32
        %dma_start3A_37 = tpu.memref_slice %arg8[%multiple_of3A_23, %dma_start3A_36] : memref<10008x8xf32, #tpu.memory_space<vmem_shared>> -> memref<640x8xf32, #tpu.memory_space<vmem_shared>>
        tpu.enqueue_dma source(%dma_start3A_37 : memref<640x8xf32, #tpu.memory_space<vmem_shared>>) target(%dma_start3A_35 : memref<640x8xf32, #tpu.memory_space<hbm>>) target_semaphore(%run_scoped3A : memref<!tpu.dma_semaphore, #tpu.memory_space<semaphore_mem>>)
        %dma_wait3A = arith.constant 0 : i32
        %dma_wait3A_38 = tpu.memref_slice %arg5[%arg0, %multiple_of3A_23, %dma_wait3A] : memref<2x10000x8xf32, #tpu.memory_space<hbm>> -> memref<1x640x8xf32, #tpu.memory_space<hbm>>
        %dma_wait3A_39 = tpu.memref_squeeze %dma_wait3A_38 : memref<1x640x8xf32, #tpu.memory_space<hbm>> -> memref<640x8xf32, #tpu.memory_space<hbm>>
        %dma_wait3A_40 = arith.constant 0 : i32
        %dma_wait3A_41 = tpu.memref_slice %arg8[%multiple_of3A_23, %dma_wait3A_40] : memref<10008x8xf32, #tpu.memory_space<vmem_shared>> -> memref<640x8xf32, #tpu.memory_space<vmem_shared>>
        tpu.wait_dma2 semaphore(%run_scoped3A : memref<!tpu.dma_semaphore, #tpu.memory_space<semaphore_mem>>) src(%dma_wait3A_41 : memref<640x8xf32, #tpu.memory_space<vmem_shared>>) dst(%dma_wait3A_39 : memref<640x8xf32, #tpu.memory_space<hbm>>)
        tpu.yield
      }) : () -> ()
    } else {
    }
    return
  }
}

#map = affine_map<(d0, d1) -> (0, 0)>
#map1 = affine_map<(d0, d1) -> (0, 0, 0)>
module attributes {stable_mosaic.version = 14 : i64} {
  func.func @_agg_body(%arg0: i32, %arg1: i32, %arg2: memref<10000x64xf32, #tpu.memory_space<hbm>>, %arg3: memref<32x79x128xi32, #tpu.memory_space<hbm>>, %arg4: memref<32x79x128xi32, #tpu.memory_space<hbm>>, %arg5: memref<10008x64xf32, #tpu.memory_space<hbm>>, %arg6: memref<2x10000x64xf32, #tpu.memory_space<hbm>>, %arg7: memref<79x128xi32, #tpu.memory_space<vmem>>, %arg8: memref<79x128xi32, #tpu.memory_space<vmem>>, %arg9: memref<128x64xf32, #tpu.memory_space<vmem>>, %arg10: memref<128x64xf32, #tpu.memory_space<vmem>>, %arg11: memref<10000x64xf32, #tpu.memory_space<vmem_shared>>, %arg12: memref<10008x64xf32, #tpu.memory_space<vmem_shared>>, %arg13: memref<!tpu.dma_semaphore, #tpu.memory_space<semaphore_mem>>, %arg14: memref<!tpu.dma_semaphore, #tpu.memory_space<semaphore_mem>>, %arg15: memref<!tpu.dma_semaphore, #tpu.memory_space<semaphore_mem>>, %arg16: memref<!tpu.dma_semaphore, #tpu.memory_space<semaphore_mem>>) attributes {dimension_semantics = [#tpu.dimension_semantics<core_parallel>, #tpu.dimension_semantics<subcore_parallel>], iteration_bounds = array<i64: 2, 16>, scalar_prefetch = 0 : i64, scratch_operands = 10 : i64, tpu.core_type = #tpu.core_type<sc_vector_subcore>, window_params = [{transform_indices = #map}, {transform_indices = #map1}, {transform_indices = #map1}, {transform_indices = #map}, {transform_indices = #map1}]} {
    %mul3A = arith.constant 16 : i32
    %mul3A_0 = arith.muli %arg0, %mul3A : i32
    %add3A = arith.addi %mul3A_0, %arg1 : i32
    "tpu.region"() ({
      %run_scoped3A = tpu.sem_alloc : memref<!tpu.dma_semaphore, #tpu.memory_space<semaphore_mem>>
      %dma_start3A_74 = arith.constant 0 : i32
      %dma_start3A_75 = arith.constant 0 : i32
      %dma_start3A_76 = tpu.memref_slice %arg3[%add3A, %dma_start3A_74, %dma_start3A_75] : memref<32x79x128xi32, #tpu.memory_space<hbm>> -> memref<1x79x128xi32, #tpu.memory_space<hbm>>
      %dma_start3A_77 = tpu.memref_squeeze %dma_start3A_76 : memref<1x79x128xi32, #tpu.memory_space<hbm>> -> memref<79x128xi32, #tpu.memory_space<hbm>>
      %dma_start3A_78 = arith.constant 0 : i32
      %dma_start3A_79 = arith.constant 0 : i32
      %dma_start3A_80 = tpu.memref_slice %arg3[%add3A, %dma_start3A_78, %dma_start3A_79] : memref<32x79x128xi32, #tpu.memory_space<hbm>> -> memref<1x79x128xi32, #tpu.memory_space<hbm>>
      %dma_start3A_81 = tpu.memref_squeeze %dma_start3A_80 : memref<1x79x128xi32, #tpu.memory_space<hbm>> -> memref<79x128xi32, #tpu.memory_space<hbm>>
      tpu.enqueue_dma source(%dma_start3A_81 : memref<79x128xi32, #tpu.memory_space<hbm>>) target(%arg7 : memref<79x128xi32, #tpu.memory_space<vmem>>) target_semaphore(%run_scoped3A : memref<!tpu.dma_semaphore, #tpu.memory_space<semaphore_mem>>)
      %dma_wait3A_82 = arith.constant 0 : i32
      %dma_wait3A_83 = arith.constant 0 : i32
      %dma_wait3A_84 = tpu.memref_slice %arg3[%add3A, %dma_wait3A_82, %dma_wait3A_83] : memref<32x79x128xi32, #tpu.memory_space<hbm>> -> memref<1x79x128xi32, #tpu.memory_space<hbm>>
      %dma_wait3A_85 = tpu.memref_squeeze %dma_wait3A_84 : memref<1x79x128xi32, #tpu.memory_space<hbm>> -> memref<79x128xi32, #tpu.memory_space<hbm>>
      %dma_wait3A_86 = arith.constant 0 : i32
      %dma_wait3A_87 = arith.constant 0 : i32
      %dma_wait3A_88 = tpu.memref_slice %arg3[%add3A, %dma_wait3A_86, %dma_wait3A_87] : memref<32x79x128xi32, #tpu.memory_space<hbm>> -> memref<1x79x128xi32, #tpu.memory_space<hbm>>
      %dma_wait3A_89 = tpu.memref_squeeze %dma_wait3A_88 : memref<1x79x128xi32, #tpu.memory_space<hbm>> -> memref<79x128xi32, #tpu.memory_space<hbm>>
      tpu.wait_dma2 semaphore(%run_scoped3A : memref<!tpu.dma_semaphore, #tpu.memory_space<semaphore_mem>>) src(%dma_wait3A_89 : memref<79x128xi32, #tpu.memory_space<hbm>>) dst(%arg7 : memref<79x128xi32, #tpu.memory_space<vmem>>)
      tpu.yield
    }) : () -> ()
    "tpu.region"() ({
      %run_scoped3A = tpu.sem_alloc : memref<!tpu.dma_semaphore, #tpu.memory_space<semaphore_mem>>
      %dma_start3A_74 = arith.constant 0 : i32
      %dma_start3A_75 = arith.constant 0 : i32
      %dma_start3A_76 = tpu.memref_slice %arg4[%add3A, %dma_start3A_74, %dma_start3A_75] : memref<32x79x128xi32, #tpu.memory_space<hbm>> -> memref<1x79x128xi32, #tpu.memory_space<hbm>>
      %dma_start3A_77 = tpu.memref_squeeze %dma_start3A_76 : memref<1x79x128xi32, #tpu.memory_space<hbm>> -> memref<79x128xi32, #tpu.memory_space<hbm>>
      %dma_start3A_78 = arith.constant 0 : i32
      %dma_start3A_79 = arith.constant 0 : i32
      %dma_start3A_80 = tpu.memref_slice %arg4[%add3A, %dma_start3A_78, %dma_start3A_79] : memref<32x79x128xi32, #tpu.memory_space<hbm>> -> memref<1x79x128xi32, #tpu.memory_space<hbm>>
      %dma_start3A_81 = tpu.memref_squeeze %dma_start3A_80 : memref<1x79x128xi32, #tpu.memory_space<hbm>> -> memref<79x128xi32, #tpu.memory_space<hbm>>
      tpu.enqueue_dma source(%dma_start3A_81 : memref<79x128xi32, #tpu.memory_space<hbm>>) target(%arg8 : memref<79x128xi32, #tpu.memory_space<vmem>>) target_semaphore(%run_scoped3A : memref<!tpu.dma_semaphore, #tpu.memory_space<semaphore_mem>>)
      %dma_wait3A_82 = arith.constant 0 : i32
      %dma_wait3A_83 = arith.constant 0 : i32
      %dma_wait3A_84 = tpu.memref_slice %arg4[%add3A, %dma_wait3A_82, %dma_wait3A_83] : memref<32x79x128xi32, #tpu.memory_space<hbm>> -> memref<1x79x128xi32, #tpu.memory_space<hbm>>
      %dma_wait3A_85 = tpu.memref_squeeze %dma_wait3A_84 : memref<1x79x128xi32, #tpu.memory_space<hbm>> -> memref<79x128xi32, #tpu.memory_space<hbm>>
      %dma_wait3A_86 = arith.constant 0 : i32
      %dma_wait3A_87 = arith.constant 0 : i32
      %dma_wait3A_88 = tpu.memref_slice %arg4[%add3A, %dma_wait3A_86, %dma_wait3A_87] : memref<32x79x128xi32, #tpu.memory_space<hbm>> -> memref<1x79x128xi32, #tpu.memory_space<hbm>>
      %dma_wait3A_89 = tpu.memref_squeeze %dma_wait3A_88 : memref<1x79x128xi32, #tpu.memory_space<hbm>> -> memref<79x128xi32, #tpu.memory_space<hbm>>
      tpu.wait_dma2 semaphore(%run_scoped3A : memref<!tpu.dma_semaphore, #tpu.memory_space<semaphore_mem>>) src(%dma_wait3A_89 : memref<79x128xi32, #tpu.memory_space<hbm>>) dst(%arg8 : memref<79x128xi32, #tpu.memory_space<vmem>>)
      tpu.yield
    }) : () -> ()
    %mul3A_1 = arith.constant 624 : i32
    %mul3A_2 = arith.muli %arg1, %mul3A_1 : i32
    %multiple_of3A = tpu.assume_multiple %mul3A_2, 8 : i32
    %lt3A = arith.constant 15 : i32
    %lt3A_3 = arith.cmpi slt, %arg1, %lt3A : i32
    %convert_element_type3A = arith.extui %lt3A_3 : i1 to i32
    %cond3A = arith.constant 0 : i32
    %cond3A_4 = arith.cmpi ne, %convert_element_type3A, %cond3A : i32
    scf.if %cond3A_4 {
      "tpu.region"() ({
        %run_scoped3A = tpu.sem_alloc : memref<!tpu.dma_semaphore, #tpu.memory_space<semaphore_mem>>
        %dma_start3A_74 = arith.constant 0 : i32
        %dma_start3A_75 = tpu.memref_slice %arg11[%multiple_of3A, %dma_start3A_74] : memref<10000x64xf32, #tpu.memory_space<vmem_shared>> -> memref<624x64xf32, #tpu.memory_space<vmem_shared>>
        %dma_start3A_76 = arith.constant 0 : i32
        %dma_start3A_77 = tpu.memref_slice %arg2[%multiple_of3A, %dma_start3A_76] : memref<10000x64xf32, #tpu.memory_space<hbm>> -> memref<624x64xf32, #tpu.memory_space<hbm>>
        tpu.enqueue_dma source(%dma_start3A_77 : memref<624x64xf32, #tpu.memory_space<hbm>>) target(%dma_start3A_75 : memref<624x64xf32, #tpu.memory_space<vmem_shared>>) target_semaphore(%run_scoped3A : memref<!tpu.dma_semaphore, #tpu.memory_space<semaphore_mem>>)
        %dma_wait3A_78 = arith.constant 0 : i32
        %dma_wait3A_79 = tpu.memref_slice %arg11[%multiple_of3A, %dma_wait3A_78] : memref<10000x64xf32, #tpu.memory_space<vmem_shared>> -> memref<624x64xf32, #tpu.memory_space<vmem_shared>>
        %dma_wait3A_80 = arith.constant 0 : i32
        %dma_wait3A_81 = tpu.memref_slice %arg2[%multiple_of3A, %dma_wait3A_80] : memref<10000x64xf32, #tpu.memory_space<hbm>> -> memref<624x64xf32, #tpu.memory_space<hbm>>
        tpu.wait_dma2 semaphore(%run_scoped3A : memref<!tpu.dma_semaphore, #tpu.memory_space<semaphore_mem>>) src(%dma_wait3A_81 : memref<624x64xf32, #tpu.memory_space<hbm>>) dst(%dma_wait3A_79 : memref<624x64xf32, #tpu.memory_space<vmem_shared>>)
        tpu.yield
      }) : () -> ()
    } else {
    }
    %eq3A = arith.constant 15 : i32
    %eq3A_5 = arith.cmpi eq, %arg1, %eq3A : i32
    %convert_element_type3A_6 = arith.extui %eq3A_5 : i1 to i32
    %cond3A_7 = arith.constant 0 : i32
    %cond3A_8 = arith.cmpi ne, %convert_element_type3A_6, %cond3A_7 : i32
    scf.if %cond3A_8 {
      "tpu.region"() ({
        %run_scoped3A = tpu.sem_alloc : memref<!tpu.dma_semaphore, #tpu.memory_space<semaphore_mem>>
        %dma_start3A_74 = arith.constant 0 : i32
        %dma_start3A_75 = tpu.memref_slice %arg11[%multiple_of3A, %dma_start3A_74] : memref<10000x64xf32, #tpu.memory_space<vmem_shared>> -> memref<640x64xf32, #tpu.memory_space<vmem_shared>>
        %dma_start3A_76 = arith.constant 0 : i32
        %dma_start3A_77 = tpu.memref_slice %arg2[%multiple_of3A, %dma_start3A_76] : memref<10000x64xf32, #tpu.memory_space<hbm>> -> memref<640x64xf32, #tpu.memory_space<hbm>>
        tpu.enqueue_dma source(%dma_start3A_77 : memref<640x64xf32, #tpu.memory_space<hbm>>) target(%dma_start3A_75 : memref<640x64xf32, #tpu.memory_space<vmem_shared>>) target_semaphore(%run_scoped3A : memref<!tpu.dma_semaphore, #tpu.memory_space<semaphore_mem>>)
        %dma_wait3A_78 = arith.constant 0 : i32
        %dma_wait3A_79 = tpu.memref_slice %arg11[%multiple_of3A, %dma_wait3A_78] : memref<10000x64xf32, #tpu.memory_space<vmem_shared>> -> memref<640x64xf32, #tpu.memory_space<vmem_shared>>
        %dma_wait3A_80 = arith.constant 0 : i32
        %dma_wait3A_81 = tpu.memref_slice %arg2[%multiple_of3A, %dma_wait3A_80] : memref<10000x64xf32, #tpu.memory_space<hbm>> -> memref<640x64xf32, #tpu.memory_space<hbm>>
        tpu.wait_dma2 semaphore(%run_scoped3A : memref<!tpu.dma_semaphore, #tpu.memory_space<semaphore_mem>>) src(%dma_wait3A_81 : memref<640x64xf32, #tpu.memory_space<hbm>>) dst(%dma_wait3A_79 : memref<640x64xf32, #tpu.memory_space<vmem_shared>>)
        tpu.yield
      }) : () -> ()
    } else {
    }
    %mul3A_9 = arith.constant 624 : i32
    %mul3A_10 = arith.muli %arg1, %mul3A_9 : i32
    %multiple_of3A_11 = tpu.assume_multiple %mul3A_10, 8 : i32
    %lt3A_12 = arith.constant 15 : i32
    %lt3A_13 = arith.cmpi slt, %arg1, %lt3A_12 : i32
    %convert_element_type3A_14 = arith.extui %lt3A_13 : i1 to i32
    %cond3A_15 = arith.constant 0 : i32
    %cond3A_16 = arith.cmpi ne, %convert_element_type3A_14, %cond3A_15 : i32
    scf.if %cond3A_16 {
      "tpu.region"() ({
        %run_scoped3A = tpu.sem_alloc : memref<!tpu.dma_semaphore, #tpu.memory_space<semaphore_mem>>
        %dma_start3A_74 = arith.constant 0 : i32
        %dma_start3A_75 = tpu.memref_slice %arg12[%multiple_of3A_11, %dma_start3A_74] : memref<10008x64xf32, #tpu.memory_space<vmem_shared>> -> memref<624x64xf32, #tpu.memory_space<vmem_shared>>
        %dma_start3A_76 = arith.constant 0 : i32
        %dma_start3A_77 = tpu.memref_slice %arg5[%multiple_of3A_11, %dma_start3A_76] : memref<10008x64xf32, #tpu.memory_space<hbm>> -> memref<624x64xf32, #tpu.memory_space<hbm>>
        tpu.enqueue_dma source(%dma_start3A_77 : memref<624x64xf32, #tpu.memory_space<hbm>>) target(%dma_start3A_75 : memref<624x64xf32, #tpu.memory_space<vmem_shared>>) target_semaphore(%run_scoped3A : memref<!tpu.dma_semaphore, #tpu.memory_space<semaphore_mem>>)
        %dma_wait3A_78 = arith.constant 0 : i32
        %dma_wait3A_79 = tpu.memref_slice %arg12[%multiple_of3A_11, %dma_wait3A_78] : memref<10008x64xf32, #tpu.memory_space<vmem_shared>> -> memref<624x64xf32, #tpu.memory_space<vmem_shared>>
        %dma_wait3A_80 = arith.constant 0 : i32
        %dma_wait3A_81 = tpu.memref_slice %arg5[%multiple_of3A_11, %dma_wait3A_80] : memref<10008x64xf32, #tpu.memory_space<hbm>> -> memref<624x64xf32, #tpu.memory_space<hbm>>
        tpu.wait_dma2 semaphore(%run_scoped3A : memref<!tpu.dma_semaphore, #tpu.memory_space<semaphore_mem>>) src(%dma_wait3A_81 : memref<624x64xf32, #tpu.memory_space<hbm>>) dst(%dma_wait3A_79 : memref<624x64xf32, #tpu.memory_space<vmem_shared>>)
        tpu.yield
      }) : () -> ()
    } else {
    }
    %eq3A_17 = arith.constant 15 : i32
    %eq3A_18 = arith.cmpi eq, %arg1, %eq3A_17 : i32
    %convert_element_type3A_19 = arith.extui %eq3A_18 : i1 to i32
    %cond3A_20 = arith.constant 0 : i32
    %cond3A_21 = arith.cmpi ne, %convert_element_type3A_19, %cond3A_20 : i32
    scf.if %cond3A_21 {
      "tpu.region"() ({
        %run_scoped3A = tpu.sem_alloc : memref<!tpu.dma_semaphore, #tpu.memory_space<semaphore_mem>>
        %dma_start3A_74 = arith.constant 0 : i32
        %dma_start3A_75 = tpu.memref_slice %arg12[%multiple_of3A_11, %dma_start3A_74] : memref<10008x64xf32, #tpu.memory_space<vmem_shared>> -> memref<648x64xf32, #tpu.memory_space<vmem_shared>>
        %dma_start3A_76 = arith.constant 0 : i32
        %dma_start3A_77 = tpu.memref_slice %arg5[%multiple_of3A_11, %dma_start3A_76] : memref<10008x64xf32, #tpu.memory_space<hbm>> -> memref<648x64xf32, #tpu.memory_space<hbm>>
        tpu.enqueue_dma source(%dma_start3A_77 : memref<648x64xf32, #tpu.memory_space<hbm>>) target(%dma_start3A_75 : memref<648x64xf32, #tpu.memory_space<vmem_shared>>) target_semaphore(%run_scoped3A : memref<!tpu.dma_semaphore, #tpu.memory_space<semaphore_mem>>)
        %dma_wait3A_78 = arith.constant 0 : i32
        %dma_wait3A_79 = tpu.memref_slice %arg12[%multiple_of3A_11, %dma_wait3A_78] : memref<10008x64xf32, #tpu.memory_space<vmem_shared>> -> memref<648x64xf32, #tpu.memory_space<vmem_shared>>
        %dma_wait3A_80 = arith.constant 0 : i32
        %dma_wait3A_81 = tpu.memref_slice %arg5[%multiple_of3A_11, %dma_wait3A_80] : memref<10008x64xf32, #tpu.memory_space<hbm>> -> memref<648x64xf32, #tpu.memory_space<hbm>>
        tpu.wait_dma2 semaphore(%run_scoped3A : memref<!tpu.dma_semaphore, #tpu.memory_space<semaphore_mem>>) src(%dma_wait3A_81 : memref<648x64xf32, #tpu.memory_space<hbm>>) dst(%dma_wait3A_79 : memref<648x64xf32, #tpu.memory_space<vmem_shared>>)
        tpu.yield
      }) : () -> ()
    } else {
    }
    %barrier3A = arith.constant 0 : index
    tpu.barrier barrier_id(%barrier3A)
    %dma_start3A = arith.constant 0 : i32
    %dma_start3A_22 = arith.constant 0 : i32
    %dma_start3A_23 = tpu.memref_slice %arg7[%dma_start3A, %dma_start3A_22] : memref<79x128xi32, #tpu.memory_space<vmem>> -> memref<1x128xi32, #tpu.memory_space<vmem>>
    %dma_start3A_24 = tpu.memref_squeeze %dma_start3A_23 : memref<1x128xi32, #tpu.memory_space<vmem>> -> memref<128xi32, #tpu.memory_space<vmem>>
    %dma_start3A_25 = arith.constant 0 : i32
    %dma_start3A_26 = arith.constant 0 : i32
    %dma_start3A_27 = tpu.memref_slice %arg11[%dma_start3A_25, %dma_start3A_26] : memref<10000x64xf32, #tpu.memory_space<vmem_shared>> -> memref<10000x64xf32, #tpu.memory_space<vmem_shared>>
    tpu.enqueue_indirect_dma source(%dma_start3A_27 : memref<10000x64xf32, #tpu.memory_space<vmem_shared>>) target(%arg9 : memref<128x64xf32, #tpu.memory_space<vmem>>) offsets(%dma_start3A_24 : memref<128xi32, #tpu.memory_space<vmem>>) semaphore(%arg13 : memref<!tpu.dma_semaphore, #tpu.memory_space<semaphore_mem>>)
    %dma_start3A_28 = arith.constant 1 : i32
    %dma_start3A_29 = arith.constant 0 : i32
    %dma_start3A_30 = tpu.memref_slice %arg7[%dma_start3A_28, %dma_start3A_29] : memref<79x128xi32, #tpu.memory_space<vmem>> -> memref<1x128xi32, #tpu.memory_space<vmem>>
    %dma_start3A_31 = tpu.memref_squeeze %dma_start3A_30 : memref<1x128xi32, #tpu.memory_space<vmem>> -> memref<128xi32, #tpu.memory_space<vmem>>
    %dma_start3A_32 = arith.constant 0 : i32
    %dma_start3A_33 = arith.constant 0 : i32
    %dma_start3A_34 = tpu.memref_slice %arg11[%dma_start3A_32, %dma_start3A_33] : memref<10000x64xf32, #tpu.memory_space<vmem_shared>> -> memref<10000x64xf32, #tpu.memory_space<vmem_shared>>
    tpu.enqueue_indirect_dma source(%dma_start3A_34 : memref<10000x64xf32, #tpu.memory_space<vmem_shared>>) target(%arg10 : memref<128x64xf32, #tpu.memory_space<vmem>>) offsets(%dma_start3A_31 : memref<128xi32, #tpu.memory_space<vmem>>) semaphore(%arg14 : memref<!tpu.dma_semaphore, #tpu.memory_space<semaphore_mem>>)
    %scan3A = arith.constant 0 : i32
    %scan3A_35 = arith.constant 0 : i32
    %scan3A_36 = arith.constant 39 : i32
    %scan3A_37 = arith.addi %scan3A_35, %scan3A_36 : i32
    %scan3A_38 = arith.constant 1 : i32
    scf.for %scan3A_74 = %scan3A_35 to %scan3A_37 step %scan3A_38  : i32 {
      %mul3A_75 = arith.constant 2 : i32
      %mul3A_76 = arith.muli %mul3A_75, %scan3A_74 : i32
      %dma_wait3A_77 = arith.constant 0 : i32
      %dma_wait3A_78 = arith.constant 0 : i32
      %dma_wait3A_79 = tpu.memref_slice %arg7[%dma_wait3A_77, %dma_wait3A_78] : memref<79x128xi32, #tpu.memory_space<vmem>> -> memref<1x128xi32, #tpu.memory_space<vmem>>
      %dma_wait3A_80 = tpu.memref_squeeze %dma_wait3A_79 : memref<1x128xi32, #tpu.memory_space<vmem>> -> memref<128xi32, #tpu.memory_space<vmem>>
      %dma_wait3A_81 = arith.constant 0 : i32
      %dma_wait3A_82 = arith.constant 0 : i32
      %dma_wait3A_83 = tpu.memref_slice %arg11[%dma_wait3A_81, %dma_wait3A_82] : memref<10000x64xf32, #tpu.memory_space<vmem_shared>> -> memref<10000x64xf32, #tpu.memory_space<vmem_shared>>
      tpu.wait_indirect_dma semaphore(%arg13 : memref<!tpu.dma_semaphore, #tpu.memory_space<semaphore_mem>>) src(%dma_wait3A_83 : memref<10000x64xf32, #tpu.memory_space<vmem_shared>>) dst(%arg9 : memref<128x64xf32, #tpu.memory_space<vmem>>)
      %dma_start3A_84 = arith.constant 0 : i32
      %dma_start3A_85 = tpu.memref_slice %arg8[%mul3A_76, %dma_start3A_84] : memref<79x128xi32, #tpu.memory_space<vmem>> -> memref<1x128xi32, #tpu.memory_space<vmem>>
      %dma_start3A_86 = tpu.memref_squeeze %dma_start3A_85 : memref<1x128xi32, #tpu.memory_space<vmem>> -> memref<128xi32, #tpu.memory_space<vmem>>
      %dma_start3A_87 = arith.constant 0 : i32
      %dma_start3A_88 = arith.constant 0 : i32
      %dma_start3A_89 = tpu.memref_slice %arg12[%dma_start3A_87, %dma_start3A_88] : memref<10008x64xf32, #tpu.memory_space<vmem_shared>> -> memref<10008x64xf32, #tpu.memory_space<vmem_shared>>
      tpu.enqueue_indirect_dma source(%arg9 : memref<128x64xf32, #tpu.memory_space<vmem>>) target(%dma_start3A_89 : memref<10008x64xf32, #tpu.memory_space<vmem_shared>>) offsets(%dma_start3A_86 : memref<128xi32, #tpu.memory_space<vmem>>) semaphore(%arg15 : memref<!tpu.dma_semaphore, #tpu.memory_space<semaphore_mem>>) {add = true}
      %dma_wait3A_90 = arith.constant 0 : i32
      %dma_wait3A_91 = arith.constant 0 : i32
      %dma_wait3A_92 = tpu.memref_slice %arg7[%dma_wait3A_90, %dma_wait3A_91] : memref<79x128xi32, #tpu.memory_space<vmem>> -> memref<1x128xi32, #tpu.memory_space<vmem>>
      %dma_wait3A_93 = tpu.memref_squeeze %dma_wait3A_92 : memref<1x128xi32, #tpu.memory_space<vmem>> -> memref<128xi32, #tpu.memory_space<vmem>>
      %dma_wait3A_94 = arith.constant 0 : i32
      %dma_wait3A_95 = arith.constant 0 : i32
      %dma_wait3A_96 = tpu.memref_slice %arg11[%dma_wait3A_94, %dma_wait3A_95] : memref<10000x64xf32, #tpu.memory_space<vmem_shared>> -> memref<10000x64xf32, #tpu.memory_space<vmem_shared>>
      tpu.wait_indirect_dma semaphore(%arg14 : memref<!tpu.dma_semaphore, #tpu.memory_space<semaphore_mem>>) src(%dma_wait3A_96 : memref<10000x64xf32, #tpu.memory_space<vmem_shared>>) dst(%arg10 : memref<128x64xf32, #tpu.memory_space<vmem>>)
      %add3A_97 = arith.constant 1 : i32
      %add3A_98 = arith.addi %mul3A_76, %add3A_97 : i32
      %dma_start3A_99 = arith.constant 0 : i32
      %dma_start3A_100 = tpu.memref_slice %arg8[%add3A_98, %dma_start3A_99] : memref<79x128xi32, #tpu.memory_space<vmem>> -> memref<1x128xi32, #tpu.memory_space<vmem>>
      %dma_start3A_101 = tpu.memref_squeeze %dma_start3A_100 : memref<1x128xi32, #tpu.memory_space<vmem>> -> memref<128xi32, #tpu.memory_space<vmem>>
      %dma_start3A_102 = arith.constant 0 : i32
      %dma_start3A_103 = arith.constant 0 : i32
      %dma_start3A_104 = tpu.memref_slice %arg12[%dma_start3A_102, %dma_start3A_103] : memref<10008x64xf32, #tpu.memory_space<vmem_shared>> -> memref<10008x64xf32, #tpu.memory_space<vmem_shared>>
      tpu.enqueue_indirect_dma source(%arg10 : memref<128x64xf32, #tpu.memory_space<vmem>>) target(%dma_start3A_104 : memref<10008x64xf32, #tpu.memory_space<vmem_shared>>) offsets(%dma_start3A_101 : memref<128xi32, #tpu.memory_space<vmem>>) semaphore(%arg16 : memref<!tpu.dma_semaphore, #tpu.memory_space<semaphore_mem>>) {add = true}
      %dma_wait3A_105 = arith.constant 0 : i32
      %dma_wait3A_106 = arith.constant 0 : i32
      %dma_wait3A_107 = tpu.memref_slice %arg8[%dma_wait3A_105, %dma_wait3A_106] : memref<79x128xi32, #tpu.memory_space<vmem>> -> memref<1x128xi32, #tpu.memory_space<vmem>>
      %dma_wait3A_108 = tpu.memref_squeeze %dma_wait3A_107 : memref<1x128xi32, #tpu.memory_space<vmem>> -> memref<128xi32, #tpu.memory_space<vmem>>
      %dma_wait3A_109 = arith.constant 0 : i32
      %dma_wait3A_110 = arith.constant 0 : i32
      %dma_wait3A_111 = tpu.memref_slice %arg12[%dma_wait3A_109, %dma_wait3A_110] : memref<10008x64xf32, #tpu.memory_space<vmem_shared>> -> memref<10008x64xf32, #tpu.memory_space<vmem_shared>>
      tpu.wait_indirect_dma semaphore(%arg15 : memref<!tpu.dma_semaphore, #tpu.memory_space<semaphore_mem>>) src(%arg9 : memref<128x64xf32, #tpu.memory_space<vmem>>) dst(%dma_wait3A_111 : memref<10008x64xf32, #tpu.memory_space<vmem_shared>>)
      %add3A_112 = arith.constant 2 : i32
      %add3A_113 = arith.addi %mul3A_76, %add3A_112 : i32
      %lt3A_114 = arith.constant 79 : i32
      %lt3A_115 = arith.cmpi slt, %add3A_113, %lt3A_114 : i32
      %convert_element_type3A_116 = arith.extui %lt3A_115 : i1 to i32
      %cond3A_117 = arith.constant 0 : i32
      %cond3A_118 = arith.cmpi ne, %convert_element_type3A_116, %cond3A_117 : i32
      scf.if %cond3A_118 {
        %add3A_133 = arith.constant 2 : i32
        %add3A_134 = arith.addi %mul3A_76, %add3A_133 : i32
        %dma_start3A_135 = arith.constant 0 : i32
        %dma_start3A_136 = tpu.memref_slice %arg7[%add3A_134, %dma_start3A_135] : memref<79x128xi32, #tpu.memory_space<vmem>> -> memref<1x128xi32, #tpu.memory_space<vmem>>
        %dma_start3A_137 = tpu.memref_squeeze %dma_start3A_136 : memref<1x128xi32, #tpu.memory_space<vmem>> -> memref<128xi32, #tpu.memory_space<vmem>>
        %dma_start3A_138 = arith.constant 0 : i32
        %dma_start3A_139 = arith.constant 0 : i32
        %dma_start3A_140 = tpu.memref_slice %arg11[%dma_start3A_138, %dma_start3A_139] : memref<10000x64xf32, #tpu.memory_space<vmem_shared>> -> memref<10000x64xf32, #tpu.memory_space<vmem_shared>>
        tpu.enqueue_indirect_dma source(%dma_start3A_140 : memref<10000x64xf32, #tpu.memory_space<vmem_shared>>) target(%arg9 : memref<128x64xf32, #tpu.memory_space<vmem>>) offsets(%dma_start3A_137 : memref<128xi32, #tpu.memory_space<vmem>>) semaphore(%arg13 : memref<!tpu.dma_semaphore, #tpu.memory_space<semaphore_mem>>)
      } else {
      }
      %dma_wait3A_119 = arith.constant 0 : i32
      %dma_wait3A_120 = arith.constant 0 : i32
      %dma_wait3A_121 = tpu.memref_slice %arg8[%dma_wait3A_119, %dma_wait3A_120] : memref<79x128xi32, #tpu.memory_space<vmem>> -> memref<1x128xi32, #tpu.memory_space<vmem>>
      %dma_wait3A_122 = tpu.memref_squeeze %dma_wait3A_121 : memref<1x128xi32, #tpu.memory_space<vmem>> -> memref<128xi32, #tpu.memory_space<vmem>>
      %dma_wait3A_123 = arith.constant 0 : i32
      %dma_wait3A_124 = arith.constant 0 : i32
      %dma_wait3A_125 = tpu.memref_slice %arg12[%dma_wait3A_123, %dma_wait3A_124] : memref<10008x64xf32, #tpu.memory_space<vmem_shared>> -> memref<10008x64xf32, #tpu.memory_space<vmem_shared>>
      tpu.wait_indirect_dma semaphore(%arg16 : memref<!tpu.dma_semaphore, #tpu.memory_space<semaphore_mem>>) src(%arg10 : memref<128x64xf32, #tpu.memory_space<vmem>>) dst(%dma_wait3A_125 : memref<10008x64xf32, #tpu.memory_space<vmem_shared>>)
      %add3A_126 = arith.constant 3 : i32
      %add3A_127 = arith.addi %mul3A_76, %add3A_126 : i32
      %lt3A_128 = arith.constant 79 : i32
      %lt3A_129 = arith.cmpi slt, %add3A_127, %lt3A_128 : i32
      %convert_element_type3A_130 = arith.extui %lt3A_129 : i1 to i32
      %cond3A_131 = arith.constant 0 : i32
      %cond3A_132 = arith.cmpi ne, %convert_element_type3A_130, %cond3A_131 : i32
      scf.if %cond3A_132 {
        %add3A_133 = arith.constant 3 : i32
        %add3A_134 = arith.addi %mul3A_76, %add3A_133 : i32
        %dma_start3A_135 = arith.constant 0 : i32
        %dma_start3A_136 = tpu.memref_slice %arg7[%add3A_134, %dma_start3A_135] : memref<79x128xi32, #tpu.memory_space<vmem>> -> memref<1x128xi32, #tpu.memory_space<vmem>>
        %dma_start3A_137 = tpu.memref_squeeze %dma_start3A_136 : memref<1x128xi32, #tpu.memory_space<vmem>> -> memref<128xi32, #tpu.memory_space<vmem>>
        %dma_start3A_138 = arith.constant 0 : i32
        %dma_start3A_139 = arith.constant 0 : i32
        %dma_start3A_140 = tpu.memref_slice %arg11[%dma_start3A_138, %dma_start3A_139] : memref<10000x64xf32, #tpu.memory_space<vmem_shared>> -> memref<10000x64xf32, #tpu.memory_space<vmem_shared>>
        tpu.enqueue_indirect_dma source(%dma_start3A_140 : memref<10000x64xf32, #tpu.memory_space<vmem_shared>>) target(%arg10 : memref<128x64xf32, #tpu.memory_space<vmem>>) offsets(%dma_start3A_137 : memref<128xi32, #tpu.memory_space<vmem>>) semaphore(%arg14 : memref<!tpu.dma_semaphore, #tpu.memory_space<semaphore_mem>>)
      } else {
      }
    }
    %scan3A_39 = arith.constant 39 : i32
    %dma_wait3A = arith.constant 0 : i32
    %dma_wait3A_40 = arith.constant 0 : i32
    %dma_wait3A_41 = tpu.memref_slice %arg7[%dma_wait3A, %dma_wait3A_40] : memref<79x128xi32, #tpu.memory_space<vmem>> -> memref<1x128xi32, #tpu.memory_space<vmem>>
    %dma_wait3A_42 = tpu.memref_squeeze %dma_wait3A_41 : memref<1x128xi32, #tpu.memory_space<vmem>> -> memref<128xi32, #tpu.memory_space<vmem>>
    %dma_wait3A_43 = arith.constant 0 : i32
    %dma_wait3A_44 = arith.constant 0 : i32
    %dma_wait3A_45 = tpu.memref_slice %arg11[%dma_wait3A_43, %dma_wait3A_44] : memref<10000x64xf32, #tpu.memory_space<vmem_shared>> -> memref<10000x64xf32, #tpu.memory_space<vmem_shared>>
    tpu.wait_indirect_dma semaphore(%arg13 : memref<!tpu.dma_semaphore, #tpu.memory_space<semaphore_mem>>) src(%dma_wait3A_45 : memref<10000x64xf32, #tpu.memory_space<vmem_shared>>) dst(%arg9 : memref<128x64xf32, #tpu.memory_space<vmem>>)
    %dma_start3A_46 = arith.constant 78 : i32
    %dma_start3A_47 = arith.constant 0 : i32
    %dma_start3A_48 = tpu.memref_slice %arg8[%dma_start3A_46, %dma_start3A_47] : memref<79x128xi32, #tpu.memory_space<vmem>> -> memref<1x128xi32, #tpu.memory_space<vmem>>
    %dma_start3A_49 = tpu.memref_squeeze %dma_start3A_48 : memref<1x128xi32, #tpu.memory_space<vmem>> -> memref<128xi32, #tpu.memory_space<vmem>>
    %dma_start3A_50 = arith.constant 0 : i32
    %dma_start3A_51 = arith.constant 0 : i32
    %dma_start3A_52 = tpu.memref_slice %arg12[%dma_start3A_50, %dma_start3A_51] : memref<10008x64xf32, #tpu.memory_space<vmem_shared>> -> memref<10008x64xf32, #tpu.memory_space<vmem_shared>>
    tpu.enqueue_indirect_dma source(%arg9 : memref<128x64xf32, #tpu.memory_space<vmem>>) target(%dma_start3A_52 : memref<10008x64xf32, #tpu.memory_space<vmem_shared>>) offsets(%dma_start3A_49 : memref<128xi32, #tpu.memory_space<vmem>>) semaphore(%arg15 : memref<!tpu.dma_semaphore, #tpu.memory_space<semaphore_mem>>) {add = true}
    %dma_wait3A_53 = arith.constant 0 : i32
    %dma_wait3A_54 = arith.constant 0 : i32
    %dma_wait3A_55 = tpu.memref_slice %arg8[%dma_wait3A_53, %dma_wait3A_54] : memref<79x128xi32, #tpu.memory_space<vmem>> -> memref<1x128xi32, #tpu.memory_space<vmem>>
    %dma_wait3A_56 = tpu.memref_squeeze %dma_wait3A_55 : memref<1x128xi32, #tpu.memory_space<vmem>> -> memref<128xi32, #tpu.memory_space<vmem>>
    %dma_wait3A_57 = arith.constant 0 : i32
    %dma_wait3A_58 = arith.constant 0 : i32
    %dma_wait3A_59 = tpu.memref_slice %arg12[%dma_wait3A_57, %dma_wait3A_58] : memref<10008x64xf32, #tpu.memory_space<vmem_shared>> -> memref<10008x64xf32, #tpu.memory_space<vmem_shared>>
    tpu.wait_indirect_dma semaphore(%arg15 : memref<!tpu.dma_semaphore, #tpu.memory_space<semaphore_mem>>) src(%arg9 : memref<128x64xf32, #tpu.memory_space<vmem>>) dst(%dma_wait3A_59 : memref<10008x64xf32, #tpu.memory_space<vmem_shared>>)
    %barrier3A_60 = arith.constant 0 : index
    tpu.barrier barrier_id(%barrier3A_60)
    %mul3A_61 = arith.constant 624 : i32
    %mul3A_62 = arith.muli %arg1, %mul3A_61 : i32
    %multiple_of3A_63 = tpu.assume_multiple %mul3A_62, 8 : i32
    %lt3A_64 = arith.constant 15 : i32
    %lt3A_65 = arith.cmpi slt, %arg1, %lt3A_64 : i32
    %convert_element_type3A_66 = arith.extui %lt3A_65 : i1 to i32
    %cond3A_67 = arith.constant 0 : i32
    %cond3A_68 = arith.cmpi ne, %convert_element_type3A_66, %cond3A_67 : i32
    scf.if %cond3A_68 {
      "tpu.region"() ({
        %run_scoped3A = tpu.sem_alloc : memref<!tpu.dma_semaphore, #tpu.memory_space<semaphore_mem>>
        %dma_start3A_74 = arith.constant 0 : i32
        %dma_start3A_75 = tpu.memref_slice %arg6[%arg0, %multiple_of3A_63, %dma_start3A_74] : memref<2x10000x64xf32, #tpu.memory_space<hbm>> -> memref<1x624x64xf32, #tpu.memory_space<hbm>>
        %dma_start3A_76 = tpu.memref_squeeze %dma_start3A_75 : memref<1x624x64xf32, #tpu.memory_space<hbm>> -> memref<624x64xf32, #tpu.memory_space<hbm>>
        %dma_start3A_77 = arith.constant 0 : i32
        %dma_start3A_78 = tpu.memref_slice %arg12[%multiple_of3A_63, %dma_start3A_77] : memref<10008x64xf32, #tpu.memory_space<vmem_shared>> -> memref<624x64xf32, #tpu.memory_space<vmem_shared>>
        tpu.enqueue_dma source(%dma_start3A_78 : memref<624x64xf32, #tpu.memory_space<vmem_shared>>) target(%dma_start3A_76 : memref<624x64xf32, #tpu.memory_space<hbm>>) target_semaphore(%run_scoped3A : memref<!tpu.dma_semaphore, #tpu.memory_space<semaphore_mem>>)
        %dma_wait3A_79 = arith.constant 0 : i32
        %dma_wait3A_80 = tpu.memref_slice %arg6[%arg0, %multiple_of3A_63, %dma_wait3A_79] : memref<2x10000x64xf32, #tpu.memory_space<hbm>> -> memref<1x624x64xf32, #tpu.memory_space<hbm>>
        %dma_wait3A_81 = tpu.memref_squeeze %dma_wait3A_80 : memref<1x624x64xf32, #tpu.memory_space<hbm>> -> memref<624x64xf32, #tpu.memory_space<hbm>>
        %dma_wait3A_82 = arith.constant 0 : i32
        %dma_wait3A_83 = tpu.memref_slice %arg12[%multiple_of3A_63, %dma_wait3A_82] : memref<10008x64xf32, #tpu.memory_space<vmem_shared>> -> memref<624x64xf32, #tpu.memory_space<vmem_shared>>
        tpu.wait_dma2 semaphore(%run_scoped3A : memref<!tpu.dma_semaphore, #tpu.memory_space<semaphore_mem>>) src(%dma_wait3A_83 : memref<624x64xf32, #tpu.memory_space<vmem_shared>>) dst(%dma_wait3A_81 : memref<624x64xf32, #tpu.memory_space<hbm>>)
        tpu.yield
      }) : () -> ()
    } else {
    }
    %eq3A_69 = arith.constant 15 : i32
    %eq3A_70 = arith.cmpi eq, %arg1, %eq3A_69 : i32
    %convert_element_type3A_71 = arith.extui %eq3A_70 : i1 to i32
    %cond3A_72 = arith.constant 0 : i32
    %cond3A_73 = arith.cmpi ne, %convert_element_type3A_71, %cond3A_72 : i32
    scf.if %cond3A_73 {
      "tpu.region"() ({
        %run_scoped3A = tpu.sem_alloc : memref<!tpu.dma_semaphore, #tpu.memory_space<semaphore_mem>>
        %dma_start3A_74 = arith.constant 0 : i32
        %dma_start3A_75 = tpu.memref_slice %arg6[%arg0, %multiple_of3A_63, %dma_start3A_74] : memref<2x10000x64xf32, #tpu.memory_space<hbm>> -> memref<1x640x64xf32, #tpu.memory_space<hbm>>
        %dma_start3A_76 = tpu.memref_squeeze %dma_start3A_75 : memref<1x640x64xf32, #tpu.memory_space<hbm>> -> memref<640x64xf32, #tpu.memory_space<hbm>>
        %dma_start3A_77 = arith.constant 0 : i32
        %dma_start3A_78 = tpu.memref_slice %arg12[%multiple_of3A_63, %dma_start3A_77] : memref<10008x64xf32, #tpu.memory_space<vmem_shared>> -> memref<640x64xf32, #tpu.memory_space<vmem_shared>>
        tpu.enqueue_dma source(%dma_start3A_78 : memref<640x64xf32, #tpu.memory_space<vmem_shared>>) target(%dma_start3A_76 : memref<640x64xf32, #tpu.memory_space<hbm>>) target_semaphore(%run_scoped3A : memref<!tpu.dma_semaphore, #tpu.memory_space<semaphore_mem>>)
        %dma_wait3A_79 = arith.constant 0 : i32
        %dma_wait3A_80 = tpu.memref_slice %arg6[%arg0, %multiple_of3A_63, %dma_wait3A_79] : memref<2x10000x64xf32, #tpu.memory_space<hbm>> -> memref<1x640x64xf32, #tpu.memory_space<hbm>>
        %dma_wait3A_81 = tpu.memref_squeeze %dma_wait3A_80 : memref<1x640x64xf32, #tpu.memory_space<hbm>> -> memref<640x64xf32, #tpu.memory_space<hbm>>
        %dma_wait3A_82 = arith.constant 0 : i32
        %dma_wait3A_83 = tpu.memref_slice %arg12[%multiple_of3A_63, %dma_wait3A_82] : memref<10008x64xf32, #tpu.memory_space<vmem_shared>> -> memref<640x64xf32, #tpu.memory_space<vmem_shared>>
        tpu.wait_dma2 semaphore(%run_scoped3A : memref<!tpu.dma_semaphore, #tpu.memory_space<semaphore_mem>>) src(%dma_wait3A_83 : memref<640x64xf32, #tpu.memory_space<vmem_shared>>) dst(%dma_wait3A_81 : memref<640x64xf32, #tpu.memory_space<hbm>>)
        tpu.yield
      }) : () -> ()
    } else {
    }
    return
  }
}

module attributes {stable_mosaic.version = 14 : i64} {
  func.func @_prep_body(%arg0: memref<2x10000x8xf32, #tpu.memory_space<vmem>>, %arg1: memref<10000x128xf32, #tpu.memory_space<vmem>>, %arg2: memref<128x64xf32, #tpu.memory_space<vmem>>, %arg3: memref<10000x64xf32, #tpu.memory_space<vmem>>) attributes {dimension_semantics = [], scalar_prefetch = 0 : i64, scratch_operands = 0 : i64, tpu.core_type = #tpu.core_type<tc>} {
    %get3A = arith.constant 0 : index
    %get3A_0 = arith.constant 0 : index
    %get3A_1 = arith.constant 0 : index
    %get3A_2 = vector.load %arg0[%get3A, %get3A_0, %get3A_1] : memref<2x10000x8xf32, #tpu.memory_space<vmem>>, vector<1x10000x1xf32>
    %get3A_3 = vector.shape_cast %get3A_2 : vector<1x10000x1xf32> to vector<10000xf32>
    %get3A_4 = arith.constant 1 : index
    %get3A_5 = arith.constant 0 : index
    %get3A_6 = arith.constant 0 : index
    %get3A_7 = vector.load %arg0[%get3A_4, %get3A_5, %get3A_6] : memref<2x10000x8xf32, #tpu.memory_space<vmem>>, vector<1x10000x1xf32>
    %get3A_8 = vector.shape_cast %get3A_7 : vector<1x10000x1xf32> to vector<10000xf32>
    %add3A = arith.addf %get3A_3, %get3A_8 : vector<10000xf32>
    %add3A_9 = arith.constant 1.000000e+00 : f32
    %add3A_10 = vector.broadcast %add3A_9 : f32 to vector<10000xf32>
    %add3A_11 = arith.addf %add3A, %add3A_10 : vector<10000xf32>
    %rsqrt3A = math.rsqrt %add3A_11 : vector<10000xf32>
    %get3A_12 = arith.constant 0 : index
    %get3A_13 = arith.constant 0 : index
    %get3A_14 = vector.load %arg1[%get3A_12, %get3A_13] : memref<10000x128xf32, #tpu.memory_space<vmem>>, vector<10000x128xf32>
    %get3A_15 = arith.constant 0 : index
    %get3A_16 = arith.constant 0 : index
    %get3A_17 = vector.load %arg2[%get3A_15, %get3A_16] : memref<128x64xf32, #tpu.memory_space<vmem>>, vector<128x64xf32>
    %dot_general3A = arith.constant dense<0.000000e+00> : vector<10000x64xf32>
    %dot_general3A_18 = tpu.matmul %get3A_14, %get3A_17, %dot_general3A {dimension_numbers = #tpu.dot_dimension_numbers<[1], [0], [0], [1], [0, 0, 1, 1], [], []>, transpose_lhs_hint = false} : vector<10000x128xf32>, vector<128x64xf32>, vector<10000x64xf32> -> vector<10000x64xf32>
    %broadcast_in_dim3A = vector.shape_cast %rsqrt3A : vector<10000xf32> to vector<10000x1xf32>
    %mul3A = vector.broadcast %broadcast_in_dim3A : vector<10000x1xf32> to vector<10000x64xf32>
    %mul3A_19 = arith.mulf %dot_general3A_18, %mul3A : vector<10000x64xf32>
    %swap3A = arith.constant 0 : index
    %swap3A_20 = arith.constant 0 : index
    %swap3A_21 = vector.load %arg3[%swap3A, %swap3A_20] : memref<10000x64xf32, #tpu.memory_space<vmem>>, vector<10000x64xf32>
    tpu.vector_store %arg3[%swap3A, %swap3A_20], %mul3A_19 {strides = array<i32>} : memref<10000x64xf32, #tpu.memory_space<vmem>>, vector<10000x64xf32>,
    return
  }
}

module attributes {stable_mosaic.version = 14 : i64} {
  func.func @_mid_body(%arg0: memref<2x10000x8xf32, #tpu.memory_space<vmem>>, %arg1: memref<2x10000x64xf32, #tpu.memory_space<vmem>>, %arg2: memref<10000x64xf32, #tpu.memory_space<vmem>>, %arg3: memref<1x64xf32, #tpu.memory_space<vmem>>, %arg4: memref<64x64xf32, #tpu.memory_space<vmem>>, %arg5: memref<10000x64xf32, #tpu.memory_space<vmem>>) attributes {dimension_semantics = [], scalar_prefetch = 0 : i64, scratch_operands = 0 : i64, tpu.core_type = #tpu.core_type<tc>} {
    %get3A = arith.constant 0 : index
    %get3A_0 = arith.constant 0 : index
    %get3A_1 = arith.constant 0 : index
    %get3A_2 = vector.load %arg0[%get3A, %get3A_0, %get3A_1] : memref<2x10000x8xf32, #tpu.memory_space<vmem>>, vector<1x10000x1xf32>
    %get3A_3 = vector.shape_cast %get3A_2 : vector<1x10000x1xf32> to vector<10000xf32>
    %get3A_4 = arith.constant 1 : index
    %get3A_5 = arith.constant 0 : index
    %get3A_6 = arith.constant 0 : index
    %get3A_7 = vector.load %arg0[%get3A_4, %get3A_5, %get3A_6] : memref<2x10000x8xf32, #tpu.memory_space<vmem>>, vector<1x10000x1xf32>
    %get3A_8 = vector.shape_cast %get3A_7 : vector<1x10000x1xf32> to vector<10000xf32>
    %add3A = arith.addf %get3A_3, %get3A_8 : vector<10000xf32>
    %add3A_9 = arith.constant 1.000000e+00 : f32
    %add3A_10 = vector.broadcast %add3A_9 : f32 to vector<10000xf32>
    %add3A_11 = arith.addf %add3A, %add3A_10 : vector<10000xf32>
    %rsqrt3A = math.rsqrt %add3A_11 : vector<10000xf32>
    %get3A_12 = arith.constant 0 : index
    %get3A_13 = arith.constant 0 : index
    %get3A_14 = arith.constant 0 : index
    %get3A_15 = vector.load %arg1[%get3A_12, %get3A_13, %get3A_14] : memref<2x10000x64xf32, #tpu.memory_space<vmem>>, vector<1x10000x64xf32>
    %get3A_16 = vector.shape_cast %get3A_15 : vector<1x10000x64xf32> to vector<10000x64xf32>
    %get3A_17 = arith.constant 1 : index
    %get3A_18 = arith.constant 0 : index
    %get3A_19 = arith.constant 0 : index
    %get3A_20 = vector.load %arg1[%get3A_17, %get3A_18, %get3A_19] : memref<2x10000x64xf32, #tpu.memory_space<vmem>>, vector<1x10000x64xf32>
    %get3A_21 = vector.shape_cast %get3A_20 : vector<1x10000x64xf32> to vector<10000x64xf32>
    %add3A_22 = arith.addf %get3A_16, %get3A_21 : vector<10000x64xf32>
    %get3A_23 = arith.constant 0 : index
    %get3A_24 = arith.constant 0 : index
    %get3A_25 = vector.load %arg2[%get3A_23, %get3A_24] : memref<10000x64xf32, #tpu.memory_space<vmem>>, vector<10000x64xf32>
    %add3A_26 = arith.addf %add3A_22, %get3A_25 : vector<10000x64xf32>
    %broadcast_in_dim3A = vector.shape_cast %rsqrt3A : vector<10000xf32> to vector<10000x1xf32>
    %mul3A = vector.broadcast %broadcast_in_dim3A : vector<10000x1xf32> to vector<10000x64xf32>
    %mul3A_27 = arith.mulf %add3A_26, %mul3A : vector<10000x64xf32>
    %get3A_28 = arith.constant 0 : index
    %get3A_29 = arith.constant 0 : index
    %get3A_30 = vector.load %arg3[%get3A_28, %get3A_29] : memref<1x64xf32, #tpu.memory_space<vmem>>, vector<1x64xf32>
    %add3A_31 = vector.broadcast %get3A_30 : vector<1x64xf32> to vector<10000x64xf32>
    %add3A_32 = arith.addf %mul3A_27, %add3A_31 : vector<10000x64xf32>
    %max3A = arith.constant 0.000000e+00 : f32
    %max3A_33 = vector.broadcast %max3A : f32 to vector<10000x64xf32>
    %max3A_34 = arith.maximumf %add3A_32, %max3A_33 : vector<10000x64xf32>
    %get3A_35 = arith.constant 0 : index
    %get3A_36 = arith.constant 0 : index
    %get3A_37 = vector.load %arg4[%get3A_35, %get3A_36] : memref<64x64xf32, #tpu.memory_space<vmem>>, vector<64x64xf32>
    %dot_general3A = arith.constant dense<0.000000e+00> : vector<10000x64xf32>
    %dot_general3A_38 = tpu.matmul %max3A_34, %get3A_37, %dot_general3A {dimension_numbers = #tpu.dot_dimension_numbers<[1], [0], [0], [1], [0, 0, 1, 1], [], []>, transpose_lhs_hint = false} : vector<10000x64xf32>, vector<64x64xf32>, vector<10000x64xf32> -> vector<10000x64xf32>
    %broadcast_in_dim3A_39 = vector.shape_cast %rsqrt3A : vector<10000xf32> to vector<10000x1xf32>
    %mul3A_40 = vector.broadcast %broadcast_in_dim3A_39 : vector<10000x1xf32> to vector<10000x64xf32>
    %mul3A_41 = arith.mulf %dot_general3A_38, %mul3A_40 : vector<10000x64xf32>
    %swap3A = arith.constant 0 : index
    %swap3A_42 = arith.constant 0 : index
    %swap3A_43 = vector.load %arg5[%swap3A, %swap3A_42] : memref<10000x64xf32, #tpu.memory_space<vmem>>, vector<10000x64xf32>
    tpu.vector_store %arg5[%swap3A, %swap3A_42], %mul3A_41 {strides = array<i32>} : memref<10000x64xf32, #tpu.memory_space<vmem>>, vector<10000x64xf32>,
    return
  }
}

module attributes {stable_mosaic.version = 14 : i64} {
  func.func @_final_body(%arg0: i32, %arg1: memref<2x2000x8xf32, #tpu.memory_space<vmem>>, %arg2: memref<2x2000x64xf32, #tpu.memory_space<vmem>>, %arg3: memref<2000x64xf32, #tpu.memory_space<vmem>>, %arg4: memref<1x64xf32, #tpu.memory_space<vmem>>, %arg5: memref<1x1x2000xi32, #tpu.memory_space<vmem>>, %arg6: memref<256x51xf32, #tpu.memory_space<vmem>>, %arg7: memref<51x128xf32, #tpu.memory_space<vmem>>, %arg8: memref<1x128xf32, #tpu.memory_space<vmem>>, %arg9: memref<128x64xf32, #tpu.memory_space<vmem>>, %arg10: memref<1x64xf32, #tpu.memory_space<vmem>>, %arg11: memref<128x64xf32, #tpu.memory_space<vmem>>, %arg12: memref<1x64xf32, #tpu.memory_space<vmem>>, %arg13: memref<64x1xf32, #tpu.memory_space<vmem>>, %arg14: memref<1x1xf32, #tpu.memory_space<vmem>>, %arg15: memref<256x1xf32, #tpu.memory_space<vmem>>, %arg16: memref<256x65xf32, #tpu.memory_space<vmem>>) attributes {dimension_semantics = [#tpu.dimension_semantics<arbitrary>], iteration_bounds = array<i64: 5>, scalar_prefetch = 0 : i64, scratch_operands = 1 : i64, tpu.core_type = #tpu.core_type<tc>, window_params = [{transform_indices = @transform_0, window_bounds = array<i64: 2, 2000, 8>}, {transform_indices = @transform_1, window_bounds = array<i64: 2, 2000, 64>}, {transform_indices = @transform_2, window_bounds = array<i64: 2000, 64>}, {pipeline_mode = #tpu.pipeline_mode<synchronous>, transform_indices = @transform_3, window_bounds = array<i64: 1, 64>}, {transform_indices = @transform_4, window_bounds = array<i64: 1, 1, 2000>}, {pipeline_mode = #tpu.pipeline_mode<synchronous>, transform_indices = @transform_5, window_bounds = array<i64: 256, 51>}, {pipeline_mode = #tpu.pipeline_mode<synchronous>, transform_indices = @transform_6, window_bounds = array<i64: 51, 128>}, {pipeline_mode = #tpu.pipeline_mode<synchronous>, transform_indices = @transform_7, window_bounds = array<i64: 1, 128>}, {pipeline_mode = #tpu.pipeline_mode<synchronous>, transform_indices = @transform_8, window_bounds = array<i64: 128, 64>}, {pipeline_mode = #tpu.pipeline_mode<synchronous>, transform_indices = @transform_9, window_bounds = array<i64: 1, 64>}, {pipeline_mode = #tpu.pipeline_mode<synchronous>, transform_indices = @transform_10, window_bounds = array<i64: 128, 64>}, {pipeline_mode = #tpu.pipeline_mode<synchronous>, transform_indices = @transform_11, window_bounds = array<i64: 1, 64>}, {pipeline_mode = #tpu.pipeline_mode<synchronous>, transform_indices = @transform_12, window_bounds = array<i64: 64, 1>}, {pipeline_mode = #tpu.pipeline_mode<synchronous>, transform_indices = @transform_13, window_bounds = array<i64: 1, 1>}, {pipeline_mode = #tpu.pipeline_mode<synchronous>, transform_indices = @transform_14, window_bounds = array<i64: 256, 1>}]} {
    %eq3A = arith.constant 0 : i32
    %eq3A_0 = arith.cmpi eq, %arg0, %eq3A : i32
    %convert_element_type3A = arith.extui %eq3A_0 : i1 to i32
    %cond3A = arith.constant 0 : i32
    %cond3A_1 = arith.cmpi ne, %convert_element_type3A, %cond3A : i32
    scf.if %cond3A_1 {
      %broadcast_in_dim3A_62 = arith.constant 0.000000e+00 : f32
      %broadcast_in_dim3A_63 = vector.broadcast %broadcast_in_dim3A_62 : f32 to vector<256x65xf32>
      %swap3A_64 = arith.constant 0 : index
      %swap3A_65 = arith.constant 0 : index
      %swap3A_66 = vector.load %arg16[%swap3A_64, %swap3A_65] : memref<256x65xf32, #tpu.memory_space<vmem>>, vector<256x65xf32>
      tpu.vector_store %arg16[%swap3A_64, %swap3A_65], %broadcast_in_dim3A_63 {strides = array<i32>} : memref<256x65xf32, #tpu.memory_space<vmem>>, vector<256x65xf32>,
    } else {
    }
    %get3A = arith.constant 0 : index
    %get3A_2 = arith.constant 0 : index
    %get3A_3 = arith.constant 0 : index
    %get3A_4 = vector.load %arg1[%get3A, %get3A_2, %get3A_3] : memref<2x2000x8xf32, #tpu.memory_space<vmem>>, vector<1x2000x1xf32>
    %get3A_5 = vector.shape_cast %get3A_4 : vector<1x2000x1xf32> to vector<2000xf32>
    %get3A_6 = arith.constant 1 : index
    %get3A_7 = arith.constant 0 : index
    %get3A_8 = arith.constant 0 : index
    %get3A_9 = vector.load %arg1[%get3A_6, %get3A_7, %get3A_8] : memref<2x2000x8xf32, #tpu.memory_space<vmem>>, vector<1x2000x1xf32>
    %get3A_10 = vector.shape_cast %get3A_9 : vector<1x2000x1xf32> to vector<2000xf32>
    %add3A = arith.addf %get3A_5, %get3A_10 : vector<2000xf32>
    %add3A_11 = arith.constant 1.000000e+00 : f32
    %add3A_12 = vector.broadcast %add3A_11 : f32 to vector<2000xf32>
    %add3A_13 = arith.addf %add3A, %add3A_12 : vector<2000xf32>
    %rsqrt3A = math.rsqrt %add3A_13 : vector<2000xf32>
    %get3A_14 = arith.constant 0 : index
    %get3A_15 = arith.constant 0 : index
    %get3A_16 = arith.constant 0 : index
    %get3A_17 = vector.load %arg2[%get3A_14, %get3A_15, %get3A_16] : memref<2x2000x64xf32, #tpu.memory_space<vmem>>, vector<1x2000x64xf32>
    %get3A_18 = vector.shape_cast %get3A_17 : vector<1x2000x64xf32> to vector<2000x64xf32>
    %get3A_19 = arith.constant 1 : index
    %get3A_20 = arith.constant 0 : index
    %get3A_21 = arith.constant 0 : index
    %get3A_22 = vector.load %arg2[%get3A_19, %get3A_20, %get3A_21] : memref<2x2000x64xf32, #tpu.memory_space<vmem>>, vector<1x2000x64xf32>
    %get3A_23 = vector.shape_cast %get3A_22 : vector<1x2000x64xf32> to vector<2000x64xf32>
    %add3A_24 = arith.addf %get3A_18, %get3A_23 : vector<2000x64xf32>
    %get3A_25 = arith.constant 0 : index
    %get3A_26 = arith.constant 0 : index
    %get3A_27 = vector.load %arg3[%get3A_25, %get3A_26] : memref<2000x64xf32, #tpu.memory_space<vmem>>, vector<2000x64xf32>
    %add3A_28 = arith.addf %add3A_24, %get3A_27 : vector<2000x64xf32>
    %broadcast_in_dim3A = vector.shape_cast %rsqrt3A : vector<2000xf32> to vector<2000x1xf32>
    %mul3A = vector.broadcast %broadcast_in_dim3A : vector<2000x1xf32> to vector<2000x64xf32>
    %mul3A_29 = arith.mulf %add3A_28, %mul3A : vector<2000x64xf32>
    %get3A_30 = arith.constant 0 : index
    %get3A_31 = arith.constant 0 : index
    %get3A_32 = vector.load %arg4[%get3A_30, %get3A_31] : memref<1x64xf32, #tpu.memory_space<vmem>>, vector<1x64xf32>
    %add3A_33 = vector.broadcast %get3A_32 : vector<1x64xf32> to vector<2000x64xf32>
    %add3A_34 = arith.addf %mul3A_29, %add3A_33 : vector<2000x64xf32>
    %max3A = arith.constant 0.000000e+00 : f32
    %max3A_35 = vector.broadcast %max3A : f32 to vector<2000x64xf32>
    %max3A_36 = arith.maximumf %add3A_34, %max3A_35 : vector<2000x64xf32>
    %broadcast_in_dim3A_37 = arith.constant 1.000000e+00 : f32
    %broadcast_in_dim3A_38 = vector.broadcast %broadcast_in_dim3A_37 : f32 to vector<2000x1xf32>
    %concatenate3A = tpu.concatenate %max3A_36, %broadcast_in_dim3A_38 in 1 : vector<2000x64xf32>, vector<2000x1xf32> -> vector<2000x65xf32>
    %get3A_39 = arith.constant 0 : index
    %get3A_40 = arith.constant 0 : index
    %get3A_41 = arith.constant 0 : index
    %get3A_42 = vector.load %arg5[%get3A_39, %get3A_40, %get3A_41] : memref<1x1x2000xi32, #tpu.memory_space<vmem>>, vector<1x1x2000xi32>
    %get3A_43 = vector.shape_cast %get3A_42 : vector<1x1x2000xi32> to vector<2000xi32>
    %broadcast_in_dim3A_44 = vector.shape_cast %get3A_43 : vector<2000xi32> to vector<2000x1xi32>
    %iota3A = tpu.iota {dimensions = array<i32: 1>} : vector<1x256xi32>
    %eq3A_45 = vector.broadcast %broadcast_in_dim3A_44 : vector<2000x1xi32> to vector<2000x256xi32>
    %eq3A_46 = vector.broadcast %iota3A : vector<1x256xi32> to vector<2000x256xi32>
    %eq3A_47 = arith.cmpi eq, %eq3A_45, %eq3A_46 : vector<2000x256xi32>
    %convert_element_type3A_48 = arith.extui %eq3A_47 : vector<2000x256xi1> to vector<2000x256xi32>
    %convert_element_type3A_49 = arith.sitofp %convert_element_type3A_48 : vector<2000x256xi32> to vector<2000x256xf32>
    %get3A_50 = arith.constant 0 : index
    %get3A_51 = arith.constant 0 : index
    %get3A_52 = vector.load %arg16[%get3A_50, %get3A_51] : memref<256x65xf32, #tpu.memory_space<vmem>>, vector<256x65xf32>
    %dot_general3A = arith.constant dense<0.000000e+00> : vector<256x65xf32>
    %dot_general3A_53 = tpu.matmul %convert_element_type3A_49, %concatenate3A, %dot_general3A {dimension_numbers = #tpu.dot_dimension_numbers<[0], [0], [1], [1], [0, 1, 1, 1], [], []>, transpose_lhs_hint = false} : vector<2000x256xf32>, vector<2000x65xf32>, vector<256x65xf32> -> vector<256x65xf32>
    %add3A_54 = arith.addf %get3A_52, %dot_general3A_53 : vector<256x65xf32>
    %swap3A = arith.constant 0 : index
    %swap3A_55 = arith.constant 0 : index
    %swap3A_56 = vector.load %arg16[%swap3A, %swap3A_55] : memref<256x65xf32, #tpu.memory_space<vmem>>, vector<256x65xf32>
    tpu.vector_store %arg16[%swap3A, %swap3A_55], %add3A_54 {strides = array<i32>} : memref<256x65xf32, #tpu.memory_space<vmem>>, vector<256x65xf32>,
    %eq3A_57 = arith.constant 4 : i32
    %eq3A_58 = arith.cmpi eq, %arg0, %eq3A_57 : i32
    %convert_element_type3A_59 = arith.extui %eq3A_58 : i1 to i32
    %cond3A_60 = arith.constant 0 : i32
    %cond3A_61 = arith.cmpi ne, %convert_element_type3A_59, %cond3A_60 : i32
    scf.if %cond3A_61 {
      %get3A_62 = arith.constant 0 : index
      %get3A_63 = arith.constant 64 : index
      %get3A_64 = vector.load %arg16[%get3A_62, %get3A_63] : memref<256x65xf32, #tpu.memory_space<vmem>>, vector<256x1xf32>
      %max3A_65 = arith.constant 1.000000e+00 : f32
      %max3A_66 = vector.broadcast %max3A_65 : f32 to vector<256x1xf32>
      %max3A_67 = arith.maximumf %get3A_64, %max3A_66 : vector<256x1xf32>
      %get3A_68 = arith.constant 0 : index
      %get3A_69 = arith.constant 0 : index
      %get3A_70 = vector.load %arg16[%get3A_68, %get3A_69] : memref<256x65xf32, #tpu.memory_space<vmem>>, vector<256x64xf32>
      %div3A = vector.broadcast %max3A_67 : vector<256x1xf32> to vector<256x64xf32>
      %div3A_71 = arith.divf %get3A_70, %div3A : vector<256x64xf32>
      %get3A_72 = arith.constant 0 : index
      %get3A_73 = arith.constant 0 : index
      %get3A_74 = vector.load %arg6[%get3A_72, %get3A_73] : memref<256x51xf32, #tpu.memory_space<vmem>>, vector<256x51xf32>
      %get3A_75 = arith.constant 0 : index
      %get3A_76 = arith.constant 0 : index
      %get3A_77 = vector.load %arg7[%get3A_75, %get3A_76] : memref<51x128xf32, #tpu.memory_space<vmem>>, vector<51x128xf32>
      %dot_general3A_78 = arith.constant dense<0.000000e+00> : vector<256x128xf32>
      %dot_general3A_79 = tpu.matmul %get3A_74, %get3A_77, %dot_general3A_78 {dimension_numbers = #tpu.dot_dimension_numbers<[1], [0], [0], [1], [0, 0, 1, 1], [], []>, transpose_lhs_hint = false} : vector<256x51xf32>, vector<51x128xf32>, vector<256x128xf32> -> vector<256x128xf32>
      %get3A_80 = arith.constant 0 : index
      %get3A_81 = arith.constant 0 : index
      %get3A_82 = vector.load %arg8[%get3A_80, %get3A_81] : memref<1x128xf32, #tpu.memory_space<vmem>>, vector<1x128xf32>
      %add3A_83 = vector.broadcast %get3A_82 : vector<1x128xf32> to vector<256x128xf32>
      %add3A_84 = arith.addf %dot_general3A_79, %add3A_83 : vector<256x128xf32>
      %max3A_85 = arith.constant 0.000000e+00 : f32
      %max3A_86 = vector.broadcast %max3A_85 : f32 to vector<256x128xf32>
      %max3A_87 = arith.maximumf %add3A_84, %max3A_86 : vector<256x128xf32>
      %get3A_88 = arith.constant 0 : index
      %get3A_89 = arith.constant 0 : index
      %get3A_90 = vector.load %arg9[%get3A_88, %get3A_89] : memref<128x64xf32, #tpu.memory_space<vmem>>, vector<128x64xf32>
      %dot_general3A_91 = arith.constant dense<0.000000e+00> : vector<256x64xf32>
      %dot_general3A_92 = tpu.matmul %max3A_87, %get3A_90, %dot_general3A_91 {dimension_numbers = #tpu.dot_dimension_numbers<[1], [0], [0], [1], [0, 0, 1, 1], [], []>, transpose_lhs_hint = false} : vector<256x128xf32>, vector<128x64xf32>, vector<256x64xf32> -> vector<256x64xf32>
      %get3A_93 = arith.constant 0 : index
      %get3A_94 = arith.constant 0 : index
      %get3A_95 = vector.load %arg10[%get3A_93, %get3A_94] : memref<1x64xf32, #tpu.memory_space<vmem>>, vector<1x64xf32>
      %add3A_96 = vector.broadcast %get3A_95 : vector<1x64xf32> to vector<256x64xf32>
      %add3A_97 = arith.addf %dot_general3A_92, %add3A_96 : vector<256x64xf32>
      %max3A_98 = arith.constant 0.000000e+00 : f32
      %max3A_99 = vector.broadcast %max3A_98 : f32 to vector<256x64xf32>
      %max3A_100 = arith.maximumf %add3A_97, %max3A_99 : vector<256x64xf32>
      %get3A_101 = arith.constant 0 : index
      %get3A_102 = arith.constant 0 : index
      %get3A_103 = vector.load %arg11[%get3A_101, %get3A_102] : memref<128x64xf32, #tpu.memory_space<vmem>>, vector<64x64xf32>
      %dot_general3A_104 = arith.constant dense<0.000000e+00> : vector<256x64xf32>
      %dot_general3A_105 = tpu.matmul %max3A_100, %get3A_103, %dot_general3A_104 {dimension_numbers = #tpu.dot_dimension_numbers<[1], [0], [0], [1], [0, 0, 1, 1], [], []>, transpose_lhs_hint = false} : vector<256x64xf32>, vector<64x64xf32>, vector<256x64xf32> -> vector<256x64xf32>
      %get3A_106 = arith.constant 64 : index
      %get3A_107 = arith.constant 0 : index
      %get3A_108 = vector.load %arg11[%get3A_106, %get3A_107] : memref<128x64xf32, #tpu.memory_space<vmem>>, vector<64x64xf32>
      %dot_general3A_109 = arith.constant dense<0.000000e+00> : vector<256x64xf32>
      %dot_general3A_110 = tpu.matmul %div3A_71, %get3A_108, %dot_general3A_109 {dimension_numbers = #tpu.dot_dimension_numbers<[1], [0], [0], [1], [0, 0, 1, 1], [], []>, transpose_lhs_hint = false} : vector<256x64xf32>, vector<64x64xf32>, vector<256x64xf32> -> vector<256x64xf32>
      %add3A_111 = arith.addf %dot_general3A_105, %dot_general3A_110 : vector<256x64xf32>
      %get3A_112 = arith.constant 0 : index
      %get3A_113 = arith.constant 0 : index
      %get3A_114 = vector.load %arg12[%get3A_112, %get3A_113] : memref<1x64xf32, #tpu.memory_space<vmem>>, vector<1x64xf32>
      %add3A_115 = vector.broadcast %get3A_114 : vector<1x64xf32> to vector<256x64xf32>
      %add3A_116 = arith.addf %add3A_111, %add3A_115 : vector<256x64xf32>
      %max3A_117 = arith.constant 0.000000e+00 : f32
      %max3A_118 = vector.broadcast %max3A_117 : f32 to vector<256x64xf32>
      %max3A_119 = arith.maximumf %add3A_116, %max3A_118 : vector<256x64xf32>
      %get3A_120 = arith.constant 0 : index
      %get3A_121 = arith.constant 0 : index
      %get3A_122 = vector.load %arg13[%get3A_120, %get3A_121] : memref<64x1xf32, #tpu.memory_space<vmem>>, vector<64x1xf32>
      %dot_general3A_123 = arith.constant dense<0.000000e+00> : vector<256x1xf32>
      %dot_general3A_124 = tpu.matmul %max3A_119, %get3A_122, %dot_general3A_123 {dimension_numbers = #tpu.dot_dimension_numbers<[1], [0], [0], [1], [0, 0, 1, 1], [], []>, transpose_lhs_hint = false} : vector<256x64xf32>, vector<64x1xf32>, vector<256x1xf32> -> vector<256x1xf32>
      %get3A_125 = arith.constant 0 : index
      %get3A_126 = arith.constant 0 : index
      %get3A_127 = vector.load %arg14[%get3A_125, %get3A_126] : memref<1x1xf32, #tpu.memory_space<vmem>>, vector<1x1xf32>
      %add3A_128 = vector.broadcast %get3A_127 : vector<1x1xf32> to vector<256x1xf32>
      %add3A_129 = arith.addf %dot_general3A_124, %add3A_128 : vector<256x1xf32>
      %swap3A_130 = arith.constant 0 : index
      %swap3A_131 = arith.constant 0 : index
      %swap3A_132 = vector.load %arg15[%swap3A_130, %swap3A_131] : memref<256x1xf32, #tpu.memory_space<vmem>>, vector<256x1xf32>
      tpu.vector_store %arg15[%swap3A_130, %swap3A_131], %add3A_129 {strides = array<i32>} : memref<256x1xf32, #tpu.memory_space<vmem>>, vector<256x1xf32>,
    } else {
    }
    return
  }
  func.func @transform_0(%arg0: i32) -> (i32, i32, i32) {
    %c0_i32 = arith.constant 0 : i32
    %c0_i32_0 = arith.constant 0 : i32
    %c0_i32_1 = arith.constant 0 : i32
    return %c0_i32, %arg0, %c0_i32_0 : i32, i32, i32
  }
  func.func @transform_1(%arg0: i32) -> (i32, i32, i32) {
    %c0_i32 = arith.constant 0 : i32
    %c0_i32_0 = arith.constant 0 : i32
    %c0_i32_1 = arith.constant 0 : i32
    return %c0_i32, %arg0, %c0_i32_0 : i32, i32, i32
  }
  func.func @transform_2(%arg0: i32) -> (i32, i32) {
    %c0_i32 = arith.constant 0 : i32
    %c0_i32_0 = arith.constant 0 : i32
    return %arg0, %c0_i32 : i32, i32
  }
  func.func @transform_3(%arg0: i32) -> (i32, i32) {
    %c0_i32 = arith.constant 0 : i32
    %c0_i32_0 = arith.constant 0 : i32
    %c0_i32_1 = arith.constant 0 : i32
    return %c0_i32, %c0_i32_0 : i32, i32
  }
  func.func @transform_4(%arg0: i32) -> (i32, i32, i32) {
    %c0_i32 = arith.constant 0 : i32
    %c0_i32_0 = arith.constant 0 : i32
    %c0_i32_1 = arith.constant 0 : i32
    return %arg0, %c0_i32, %c0_i32_0 : i32, i32, i32
  }
  func.func @transform_5(%arg0: i32) -> (i32, i32) {
    %c0_i32 = arith.constant 0 : i32
    %c0_i32_0 = arith.constant 0 : i32
    %c0_i32_1 = arith.constant 0 : i32
    return %c0_i32, %c0_i32_0 : i32, i32
  }
  func.func @transform_6(%arg0: i32) -> (i32, i32) {
    %c0_i32 = arith.constant 0 : i32
    %c0_i32_0 = arith.constant 0 : i32
    %c0_i32_1 = arith.constant 0 : i32
    return %c0_i32, %c0_i32_0 : i32, i32
  }
  func.func @transform_7(%arg0: i32) -> (i32, i32) {
    %c0_i32 = arith.constant 0 : i32
    %c0_i32_0 = arith.constant 0 : i32
    %c0_i32_1 = arith.constant 0 : i32
    return %c0_i32, %c0_i32_0 : i32, i32
  }
  func.func @transform_8(%arg0: i32) -> (i32, i32) {
    %c0_i32 = arith.constant 0 : i32
    %c0_i32_0 = arith.constant 0 : i32
    %c0_i32_1 = arith.constant 0 : i32
    return %c0_i32, %c0_i32_0 : i32, i32
  }
  func.func @transform_9(%arg0: i32) -> (i32, i32) {
    %c0_i32 = arith.constant 0 : i32
    %c0_i32_0 = arith.constant 0 : i32
    %c0_i32_1 = arith.constant 0 : i32
    return %c0_i32, %c0_i32_0 : i32, i32
  }
  func.func @transform_10(%arg0: i32) -> (i32, i32) {
    %c0_i32 = arith.constant 0 : i32
    %c0_i32_0 = arith.constant 0 : i32
    %c0_i32_1 = arith.constant 0 : i32
    return %c0_i32, %c0_i32_0 : i32, i32
  }
  func.func @transform_11(%arg0: i32) -> (i32, i32) {
    %c0_i32 = arith.constant 0 : i32
    %c0_i32_0 = arith.constant 0 : i32
    %c0_i32_1 = arith.constant 0 : i32
    return %c0_i32, %c0_i32_0 : i32, i32
  }
  func.func @transform_12(%arg0: i32) -> (i32, i32) {
    %c0_i32 = arith.constant 0 : i32
    %c0_i32_0 = arith.constant 0 : i32
    %c0_i32_1 = arith.constant 0 : i32
    return %c0_i32, %c0_i32_0 : i32, i32
  }
  func.func @transform_13(%arg0: i32) -> (i32, i32) {
    %c0_i32 = arith.constant 0 : i32
    %c0_i32_0 = arith.constant 0 : i32
    %c0_i32_1 = arith.constant 0 : i32
    return %c0_i32, %c0_i32_0 : i32, i32
  }
  func.func @transform_14(%arg0: i32) -> (i32, i32) {
    %c0_i32 = arith.constant 0 : i32
    %c0_i32_0 = arith.constant 0 : i32
    %c0_i32_1 = arith.constant 0 : i32
    return %c0_i32, %c0_i32_0 : i32, i32
  }
}

</mosaic_0001>

<sc_bundles>
// kernel: kernel.11.cloned.1.call-start
scs
__scs_entry_jumppad:
0x0: {  	(pc) =	sbr.rel $0x88, $3  }
0x1: {  	(tag) =	ssettag $0x0;
	lr =	simm.s32 $0x1  }
0x2: {  	[smem:$0x3F91] =	sst lr;
	_ =	strace $0xD0000000  }
0x3: {  	_ = 	snop  }
0x4: {  	_ = 	snop  }
0x5: {  	_ = 	snop  }
0x6: {  	_ = 	snop  }
0x7: {  	_ = 	snop  }
__scs_overlays_trampoline_lowered:
0x8: {  	[smem:$0x3FA0] =	sst s0  }
0x9: {  	[smem:$0x3FA1] =	sst s1  }
0xa: {  	[smem:$0x3FA2] =	sst s2  }
0xb: {  	[smem:$0x3FA3] =	sst s3  }
0xc: {  	[smem:$0x3FA4] =	sst s4  }
0xd: {  	[smem:$0x3FA5] =	sst s5  }
0xe: {  	[smem:$0x3FA6] =	sst s6  }
0xf: {  	[smem:$0x3FA7] =	sst s7  }
0x10: {  	[smem:$0x3FA8] =	sst s8  }
0x11: {  	[smem:$0x3FA9] =	sst s9;
	s0 =	simm.s32 @!p0 $0x0  }
0x12: {  	s1 =	sld [smem:$0x3F8F];
	s0 =	simm.s32 @p0 $0x1  }
0x13: {  	[smem:$0x3FAA] =	sst s0;
	s0 =	simm.s32 @!p1 $0x0  }
0x14: {  	s2 =	sld [smem:$0x3F8E];
	s0 =	simm.s32 @p1 $0x1  }
0x15: {  	[smem:$0x3FAB] =	sst s0;
	s0 =	simm.s32 @!p2 $0x0  }
0x16: {  	s3 =	sld [smem:$0x3FDB];
	s0 =	simm.s32 @p2 $0x1  }
0x17: {  	s4 =	simm.s32 $0x1BF5;
	[smem:$0x3FAD] =	sst s0  }
0x18: {  	s0 =	sld [smem:$0x3F90];
	_ =	swait.ge [sflag:s4], $0x0  }
0x19: {  	s7 =	sld [smem:$0x3F91]  }
0x1a: {  	s8 =	sadd.s32 $0xFFFFE003, lr  }
0x1b: {  	s9 =	sadd.s32 $0xFFFFFEF7, lr;
	s5 =	simm.s32 $0xFFFFFFFF;
	p2 =	slt.u32 s8, $0xFFFFF086  }
0x1c: {  	p1 =	slt.u32 s9, $0xF7A;
	s5 =	simm.s32 @!p2 $0x0  }
0x1d: {  	s5 =	simm.s32 @p1 $0x1;
	p0 =	seq.s32 s7, s2  }
0x1e: {  	s7 =	smul.u32 @!p0 $0xF7A, s2;
	p2 =	seq.s32 @!p0 s5, $0x0  }
0x1f: {  	s9 =	smul.u32 $0xF7A, s1;
	s8 =	simm.s32 @!p0 $0x1BF5;
	p2 =	por !p2, p0  }
0x20: {  	[sflag:s8] =	ssyncset.s32 @!p0 $0xFFFFF086;
	s6 =	sadd.s32 @!p0 s3, s7;
	s7 =	simm.s32 @!p0 $0x108  }
0x21: {  	s3 =	sadd.s32 s3, s9;
	s6 =	sadd.s32 @!p0 $0x88, s6;
	s7 =	simm.s32 @p2 $0x1082  }
0x22: {  	[simem:s7], [sflag:s8] =	dma.local @!p0 [hbm:s6], $0xF7A  }
0x23: {  	s9 =	sor.u32 $0xD0000000, s2;
	s6 =	simm.s32 $0x108;
	_ =	swait.ge @!p0 [sflag:s8], $0x0  }
0x24: {  	s3 =	sadd.s32 $0x88, s3;
	s6 =	simm.s32 @!p1 $0x1082;
	[sflag:s4] =	ssyncset.s32 $0xFFFFF086  }
0x25: {  	[simem:s6], [sflag:s4] =	dma.local [hbm:s3], $0xF7A  }
0x26: {  	[smem:$0x3F91] =	sst s1;
	(tag) =	ssettag s2;
	_ =	strace s9  }
0x27: {  	s1 =	sld [smem:$0x3FA1]  }
0x28: {  	s2 =	sld [smem:$0x3FA2]  }
0x29: {  	s4 =	sld [smem:$0x3FA4]  }
0x2a: {  	p0 =	seq.s32 s5, $0x0;
	s5 =	sld [smem:$0x3FA5]  }
0x2b: {  	s6 =	sld [smem:$0x3FA6]  }
0x2c: {  	s7 =	sld [smem:$0x3FA7]  }
0x2d: {  	s3 =	simm.s32 $0x108;
	s8 =	sld [smem:$0x3FA8]  }
0x2e: {  	s3 =	simm.s32 @!p0 $0x1082;
	s9 =	sld [smem:$0x3FA9]  }
0x2f: {  	lr =	sadd.s32 s0, s3;
	s0 =	sld [smem:$0x3FA0]  }
0x30: {  	s3 =	sld [smem:$0x3FA3]  }
0x31: {  	[smem:$0x3FAC] =	sst s10  }
0x32: {  	s10 =	sld [smem:$0x3FAA];
	_ =	sdelay $0x3  }
0x33: {  	p0 =	seq.s32 s10, $0x1;
	s10 =	sld [smem:$0x3FAC];
	_ =	sdelay $0x3  }
0x34: {  	[smem:$0x3FAC] =	sst s10  }
0x35: {  	s10 =	sld [smem:$0x3FAB];
	_ =	sdelay $0x3  }
0x36: {  	p1 =	seq.s32 s10, $0x1;
	s10 =	sld [smem:$0x3FAC];
	_ =	sdelay $0x3  }
0x37: {  	[smem:$0x3FAC] =	sst s10  }
0x38: {  	s10 =	sld [smem:$0x3FAD]  }
0x39: {  	_ = 	snop;
	(pc) =	sbr.ind lr, $3  }
0x3a: {  	_ = 	snop  }
0x3b: {  	_ = 	snop  }
0x3c: {  	p2 =	seq.s32 s10, $0x1;
	s10 =	sld [smem:$0x3FAC]  }
0x3d: {  	_ =	shalt  }
0x3e: {  	_ =	shalt  }
0x3f: {  	_ =	shalt  }
0x40: {  	_ =	shalt  }
0x41: {  	_ =	shalt  }
0x42: {  	_ =	shalt  }
0x43: {  	_ =	shalt  }
0x44: {  	_ =	shalt  }
0x45: {  	_ =	shalt  }
0x46: {  	_ =	shalt  }
0x47: {  	_ =	shalt  }
0x48: {  	_ =	shalt  }
0x49: {  	_ =	shalt  }
0x4a: {  	_ =	shalt  }
0x4b: {  	_ =	shalt  }
0x4c: {  	_ =	shalt  }
0x4d: {  	_ =	shalt  }
0x4e: {  	_ =	shalt  }
0x4f: {  	_ =	shalt  }
0x50: {  	_ =	shalt  }
0x51: {  	_ =	shalt  }
0x52: {  	_ =	shalt  }
0x53: {  	_ =	shalt  }
0x54: {  	_ =	shalt  }
0x55: {  	_ =	shalt  }
0x56: {  	_ =	shalt  }
0x57: {  	_ =	shalt  }
0x58: {  	_ =	shalt  }
0x59: {  	_ =	shalt  }
0x5a: {  	_ =	shalt  }
0x5b: {  	_ =	shalt  }
0x5c: {  	_ =	shalt  }
0x5d: {  	_ =	shalt  }
0x5e: {  	_ =	shalt  }
0x5f: {  	_ =	shalt  }
0x60: {  	_ =	shalt  }
0x61: {  	_ =	shalt  }
0x62: {  	_ =	shalt  }
0x63: {  	_ =	shalt  }
0x64: {  	_ =	shalt  }
0x65: {  	_ =	shalt  }
0x66: {  	_ =	shalt  }
0x67: {  	_ =	shalt  }
0x68: {  	_ =	shalt  }
0x69: {  	_ =	shalt  }
0x6a: {  	_ =	shalt  }
0x6b: {  	_ =	shalt  }
0x6c: {  	_ =	shalt  }
0x6d: {  	_ =	shalt  }
0x6e: {  	_ =	shalt  }
0x6f: {  	_ =	shalt  }
0x70: {  	_ =	shalt  }
0x71: {  	_ =	shalt  }
0x72: {  	_ =	shalt  }
0x73: {  	_ =	shalt  }
0x74: {  	_ =	shalt  }
0x75: {  	_ =	shalt  }
0x76: {  	_ =	shalt  }
0x77: {  	_ =	shalt  }
0x78: {  	_ =	shalt  }
0x79: {  	_ =	shalt  }
0x7a: {  	_ =	shalt  }
0x7b: {  	_ =	shalt  }
0x7c: {  	_ =	shalt  }
0x7d: {  	_ =	shalt  }
0x7e: {  	_ =	shalt  }
0x7f: {  	_ =	shalt  }
0x80: {  	_ =	shalt  }
0x81: {  	_ =	shalt  }
0x82: {  	_ =	shalt  }
0x83: {  	_ =	shalt  }
0x84: {  	_ =	shalt  }
0x85: {  	_ =	shalt  }
0x86: {  	_ =	shalt  }
0x87: {  	_ =	shalt  }
.Lfunc_end0:
.L_simem_size_0:
called_computation.1_lowered:
.L_overlay_start_0:
0x88: {  	s2 =	sld [smem:$0x3FD9]  }
0x89: {  	s3 =	sld [smem:$0x3FFE];
	_ =	sdelay $0x1  }
0x8a: {  	s1 =	srdreg.scid  }
0x8b: {  	s0 =	sand.u32 $0x1, s1  }
0x8c: {  	s16 =	sshll.u32 s0, $0xA;
	s2 =	sadd.s32 s3, s2  }
0x8d: {  	s2 =	sadd.s32 s2, s16  }
0x8e: {  	[smem:$0x3FB8] =	sst s2  }
0x8f: {  	_ = 	snop  }
0x90: {  	(tm) =	ssettm $0x1  }
0x91: {  	s17 =	sld [smem:$0x3FFB];
	_ =	sdelay $0x3  }
0x92: {  	_ =	strace s17  }
0x93: {  	s2 =	sld [smem:$0x3FFC];
	_ =	sdelay $0x3  }
0x94: {  	_ =	strace s2  }
0x95: {  	s2 =	sld [smem:$0x3FFD];
	_ =	sdelay $0x3  }
0x96: {  	_ =	strace s2  }
0x97: {  	_ =	strace $0x8FFFFFFF  }
0x98: {  	s18 =	sld [smem:$0x3FDB];
	_ =	sdelay $0x1  }
0x99: {  	s19 =	simm.s32 $_scs_section_size  }
0x9a: {  	s4 =	simm.s32 $_size__tile_overlayer_lowered;
	s5 =	simm.s32 $_tile_overlayer_lowered  }
0x9b: {  	s22 =	simm.s32 $0x1BFF;
	s21 =	sshll.u32 s5, $0x1;
	s2 =	sadd.s32 s19, s18  }
0x9c: {  	s6 =	simm.s32 $0x0;
	s20 =	sshll.u32 s4, $0x1;
	s4 =	sadd.s32 s21, s2  }
0x9d: {  	[timem:s6], [sflag:s22] =	dma.local [hbm:s4], s20  }
0x9e: {  	_ =	swait.ge [sflag:s22], s20  }
0x9f: {  	s3 =	ssub.s32 $0x0, s20;
	[sflag:s22] =	ssyncset.done $0x0  }
0xa0: {  	[sflag:s22] =	ssyncadd.s32 s3;
	_ =	sdelay $0x1  }
0xa1: {  	s23 =	simm.s32 $0x1B8B  }
0xa2: {  	_ =	swait.ge [sflag:s23], $0x1  }
0xa3: {  	[sflag:s23] =	ssyncset.done $0x0  }
0xa4: {  	s25 =	simm.s32 $0x1B8E;
	s24 =	sld [smem:$0x3FFE];
	[sflag:s23] =	ssyncadd.s32 $0xFFFFFFFF  }
0xa5: {  	s26 =	simm.s32 $execute0_lowered;
	[smem:$0x3FD2] =	sst s25  }
0xa6: {  	s4 =	sshll.u32 s26, $0x1;
	_ =	strace $0x80000049;
	[dreg:$0x1] =	wrdreg $0xFFFFFFFF  }
0xa7: {  	s28 =	simm.s32 $_size_execute0_lowered;
	s2 =	sadd.s32 s2, s4;
	[dreg:$0x0] =	wrdreg $0x0  }
0xa8: {  	s4 =	sshll.u32 s28, $0x1;
	[dreg:$0x2] =	wrdreg s2  }
0xa9: {  	[dreg:$0x3] =	wrdreg s4  }
0xaa: {  	[dreg:$0x4] =	wrdreg $0xC0  }
0xab: {  	_ =	task [dreg:s6], $0x5FFFF  }
0xac: {  	[dreg:$0x1] =	wrdreg $0xFFFFFFFF  }
0xad: {  	[dreg:$0x0] =	wrdreg $0x60  }
0xae: {  	[dreg:$0x2] =	wrdreg s24  }
0xaf: {  	[dreg:$0x3] =	wrdreg $0x8F000  }
0xb0: {  	[dreg:$0x4] =	wrdreg $0x12B400  }
0xb1: {  	[dreg:$0x5] =	wrdreg $0x9  }
0xb2: {  	_ =	task.clear_ibuf [dreg:s6], $0x6FFFF;
	_ =	strace $0x90000049  }
0xb3: {  	s29 =	simm.s32 $0x9;
	_ =	strace $0x8000004B  }
0xb4: {  	_ =	swait.ge [sflag:s29], $0x1  }
0xb5: {  	[sflag:s29] =	ssyncadd.s32 $0xFFFFFFFF  }
0xb6: {  	_ =	strace $0x9000004B  }
0xb7: {  	_ =	sfence  }
0xb8: {  	s30 =	sld [smem:$0x0];
	_ =	sdelay $0x2  }
0xb9: {  	s31 =	sshll.u32 s1, $0xD;
	s1 =	sshrl.u32 s1, $0x2  }
0xba: {  	s3 =	sand.u32 $0x4000, s31;
	s1 =	sadd.s32 s1, s30  }
0xbb: {  	s0 =	sor.u32 s3, s0;
	s1 =	sshll.u32 s1, $0x11  }
0xbc: {  	s0 =	sor.u32 s1, s0  }
0xbd: {  	s0 =	sadd.s32 $0x8F2B, s0  }
0xbe: {  	[sflag:s0] =	ssyncadd.remote.s32 $0x1  }
0xbf: {  	_ =	sfence.sel $0xFFFF  }
0xc0: {  	[dreg:$0x0] =	wrdreg $0xFFFFFFFF;
	(pc) =	sbr.abs _section_cstart, $3  }
0xc1: {  	[dreg:$0x1] =	wrdreg $0xFFFFFFFF  }
0xc2: {  	_ =	task.clear_ibuf [dreg:s6], $0x2FFFF;
	_ =	strace $0x9FFFFFFF  }
0xc3: {  	(tm) =	ssettm $0x7FFFFFFF  }
tec
execute0_lowered:
.L_overlay_start_1:
0x0: {  	(tag) =	ssettag $0x1  }
0x1: {  	s1 =	rddreg [dreg:$0x0]  }
0x2: {  	s0 =	srdreg.scid;
	s2 =	rddreg [dreg:$0x1]  }
0x3: {  	s18 =	stileid.u32;
	s3 =	rddreg [dreg:$0x2]  }
0x4: {  	s14 =	simm.s32 $0x5;
	s21 =	simm.s32 $0x80;
	s22 =	simm.s32 $0x4F00  }
0x5: {  	s23 =	simm.s32 $0x6F00;
	s24 =	simm.s32 $0x1;
	s25 =	simm.s32 $0x2  }
0x6: {  	s26 =	simm.s32 $0x3;
	s28 =	simm.s32 $0x4;
	s31 =	simm.s32 $0x2700  }
0x7: {  	s0 =	sand.u32 $0x1, s0;
	s10 =	smul.u32 $0x9C00, s18;
	s11 =	sadd.s32 $0x44A00, s1  }
0x8: {  	s16 =	sadd.s32 $0x92400, s2;
	s17 =	sadd.s32 $0x92400, s3;
	p0 =	seq.s32 s18, $0xF  }
0x9: {  	s4 =	sshll.u32 s0, $0x4;
	s6 =	ssub.s32 $0x2, s0;
	s0 =	smul.u32 $0x9C400, s0  }
0xa: {  	s16 =	sshrl.u32 @p0 s16, $0x3;
	s17 =	sshrl.u32 @p0 s17, $0x3;
	s5 =	sor.u32 s18, s4  }
0xb: {  	s4 =	simm.s32 $0x0;
	s29 =	sshrl.u32 s10, $0x3;
	s8 =	sshrl.u32 s6, $0x1  }
0xc: {  	s15 =	sadd.s32 s10, s2;
	s20 =	sadd.s32 s10, s3;
	s5 =	smul.u32 $0x4F0, s5  }
0xd: {  	[smem:$0x7FF] =	sst s4;
	s9 =	sadd.s32 s29, s1;
	s13 =	ssub.s32 s6, s8  }
0xe: {  	s12 =	sadd.s32 s10, s0;
	s0 =	sshrl.u32 s0, $0x3;
	s10 =	sadd.s32 $0x43480, s1  }
0xf: {  	s19 =	sshrl.u32 @!p0 s15, $0x3;
	s20 =	sshrl.u32 @!p0 s20, $0x3;
	_ =	strace $0x8000004A  }
0x10: {  	s8 =	sadd.s32 $0x31000, s9;
	s30 =	sshrl.u32 s12, $0x3;
	s0 =	sadd.s32 s11, s0  }
0x11: {  	s13 =	smax.u32 s13, $0x1;
	s7 =	sadd.s32 s5, s1;
	s11 =	sadd.s32 s11, s30  }
0x12: {  	s12 =	sadd.s32 $0x12480, s0;
	s0 =	sshll.u32 @!p0 s18, $0x6;
	s5 =	sadd.s32 $0x13800, s7  }
0x13: {  	s6 =	sadd.s32 $0x2000, s7;
	s7 =	sadd.s32 $0x1D600, s9;
	s9 =	sadd.s32 $0x2FA80, s1  }
0x14: {  	s18 =	sor.u32 @!p0 $0x1C05, s0;
	s1 =	simm.s32 $0x4E80;
	s0 =	simm.s32 $0x0  }
.LBB2_1:
0x15: {  	[tilespmem:s4], [sflag:$0x5] =	stream.linear.gather [hbm4b:s5+s4], $0x2780, $0x38;
	[tilespmem:$0x1C7A0] =	vst v63  }
0x16: {  	_ =	swait.ge [sflag:s14], $0x2780  }
0x17: {  	[sflag:s14] =	ssyncset.done $0x0  }
0x18: {  	s15 =	simm.s32 $0x2780;
	[sflag:s14] =	ssyncadd.s32 $0xFFFFD880  }
0x19: {  	[tilespmem:s15], [sflag:$0x5] =	stream.linear.gather [hbm4b:s6+s4], $0x2780, $0x38;
	[tilespmem:$0x1C7A0] =	vst v63  }
0x1a: {  	_ =	swait.ge [sflag:s14], $0x2780  }
0x1b: {  	[sflag:s14] =	ssyncset.done $0x0  }
0x1c: {  	s29 =	simm.s32 @p0 $0x5;
	s15 =	simm.s32 @p0 $0x1FC5;
	[sflag:s14] =	ssyncadd.s32 $0xFFFFD880  }
0x1d: {  	[spmem:s16], [sflag:s15] =	dma.local @p0 [hbm:s9], $0x1400  }
0x1e: {  	_ =	swait.ge @p0 [sflag:s29], $0x1400  }
0x1f: {  	[sflag:s29] =	ssyncset.done @p0 $0x0  }
0x20: {  	[sflag:s29] =	ssyncadd.s32 @p0 $0xFFFFEC00  }
0x21: {  	[spmem:s17], [sflag:s15] =	dma.local @p0 [hbm:s10], $0x1440  }
0x22: {  	_ =	swait.ge @p0 [sflag:s29], $0x1440  }
0x23: {  	[sflag:s29] =	ssyncset.done @p0 $0x0  }
0x24: {  	s15 =	simm.s32 @!p0 $0x5;
	[sflag:s29] =	ssyncadd.s32 @p0 $0xFFFFEBC0  }
0x25: {  	[spmem:s19], [sflag:s18] =	dma.local @!p0 [hbm:s7], $0x1380  }
0x26: {  	_ =	swait.ge @!p0 [sflag:s15], $0x1380  }
0x27: {  	[sflag:s15] =	ssyncset.done @!p0 $0x0  }
0x28: {  	[sflag:s15] =	ssyncadd.s32 @!p0 $0xFFFFEC80  }
0x29: {  	[spmem:s20], [sflag:s18] =	dma.local @!p0 [hbm:s8], $0x1380  }
0x2a: {  	_ =	swait.ge @!p0 [sflag:s15], $0x1380  }
0x2b: {  	[sflag:s15] =	ssyncset.done @!p0 $0x0  }
0x2c: {  	[sflag:s15] =	ssyncadd.s32 @!p0 $0xFFFFEC80  }
0x2d: {  	[bflag:$0x0] =	sbarrier.arrive $0xFFFF  }
0x2e: {  	[tilespmem:s22], [sflag:$0x1] =	stream.indirect.gather [spmem:s2], $0x40, s4, s21, $0xb8;
	[tilespmem:$0x1C7A0] =	vst v63  }
0x2f: {  	_ = 	snop  }
0x30: {  	[tilespmem:s23], [sflag:$0x2] =	stream.indirect.gather [spmem:s2], $0x40, s21, s21, $0xb8;
	[tilespmem:$0x1C7A0] =	vst v63  }
0x31: {  	_ =	swait.ge [sflag:s24], $0x2000  }
0x32: {  	[sflag:s24] =	ssyncset.done $0x0  }
0x33: {  	s30 =	simm.s32 $0x2780;
	[sflag:s24] =	ssyncadd.s32 $0xFFFFE000  }
0x34: {  	[spmem:s3] =	stream.indirect.scatter.add.f32 [tilespmem:s22], [sflag:$0x3], $0x40, s30, s21, $0xb8;
	[tilespmem:$0x1C7A0] =	vst v63  }
0x35: {  	_ =	swait.ge [sflag:s25], $0x2000  }
0x36: {  	[sflag:s25] =	ssyncset.done $0x0  }
0x37: {  	s30 =	simm.s32 $0x2800;
	[sflag:s25] =	ssyncadd.s32 $0xFFFFE000  }
0x38: {  	[spmem:s3] =	stream.indirect.scatter.add.f32 [tilespmem:s23], [sflag:$0x4], $0x40, s30, s21, $0xb8;
	[tilespmem:$0x1C7A0] =	vst v63  }
0x39: {  	_ =	swait.ge [sflag:s26], $0x2000  }
0x3a: {  	[sflag:s26] =	ssyncset.done $0x0  }
0x3b: {  	s30 =	simm.s32 $0x100;
	[sflag:s26] =	ssyncadd.s32 $0xFFFFE000  }
0x3c: {  	[tilespmem:s22], [sflag:$0x1] =	stream.indirect.gather [spmem:s2], $0x40, s30, s21, $0xb8;
	[tilespmem:$0x1C7A0] =	vst v63  }
0x3d: {  	_ =	swait.ge [sflag:s28], $0x2000  }
0x3e: {  	[sflag:s28] =	ssyncset.done $0x0  }
0x3f: {  	s29 =	simm.s32 $0x180;
	s15 =	simm.s32 $0x400;
	[sflag:s28] =	ssyncadd.s32 $0xFFFFE000  }
.LBB2_2:
0x40: {  	[tilespmem:s23], [sflag:$0x2] =	stream.indirect.gather [spmem:s2], $0x40, s29, s21, $0xb8;
	[tilespmem:$0x1C7A0] =	vst v63  }
0x41: {  	s29 =	smov.u32 s15  }
0x42: {  	p1 =	sne.s32 s15, $0x9400;
	s15 =	sadd.s32 $0x400, s15;
	_ =	swait.ge [sflag:s24], $0x2000  }
0x43: {  	s29 =	sshra.s32 s29, $0x2;
	[sflag:s24] =	ssyncset.done $0x0  }
0x44: {  	s30 =	sadd.s32 $0x2780, s29;
	[sflag:s24] =	ssyncadd.s32 $0xFFFFE000  }
0x45: {  	[spmem:s3] =	stream.indirect.scatter.add.f32 [tilespmem:s22], [sflag:$0x3], $0x40, s30, s21, $0xb8;
	[tilespmem:$0x1C7A0] =	vst v63  }
0x46: {  	_ =	swait.ge [sflag:s25], $0x2000  }
0x47: {  	[sflag:s25] =	ssyncset.done $0x0  }
0x48: {  	s30 =	sadd.s32 $0x2800, s29;
	[sflag:s25] =	ssyncadd.s32 $0xFFFFE000  }
0x49: {  	[spmem:s3] =	stream.indirect.scatter.add.f32 [tilespmem:s23], [sflag:$0x4], $0x40, s30, s21, $0xb8;
	[tilespmem:$0x1C7A0] =	vst v63  }
0x4a: {  	_ =	swait.ge [sflag:s26], $0x2000  }
0x4b: {  	[sflag:s26] =	ssyncset.done $0x0  }
.Ltmp0:
0x4c: {  	s30 =	sadd.s32 $0x100, s29;
	[sflag:s26] =	ssyncadd.s32 $0xFFFFE000;
	(pc) =	sbr.rel @p1 .LBB2_2-.Ltmp0, $4  }
0x4d: {  	[tilespmem:s22], [sflag:$0x1] =	stream.indirect.gather [spmem:s2], $0x40, s30, s21, $0xb8;
	[tilespmem:$0x1C7A0] =	vst v63  }
0x4e: {  	_ =	swait.ge [sflag:s28], $0x2000  }
0x4f: {  	[sflag:s28] =	ssyncset.done $0x0  }
0x50: {  	s29 =	sadd.s32 $0x180, s29;
	[sflag:s28] =	ssyncadd.s32 $0xFFFFE000  }
0x51: {  	[tilespmem:s23], [sflag:$0x2] =	stream.indirect.gather [spmem:s2], $0x40, s29, s21, $0xb8;
	[tilespmem:$0x1C7A0] =	vst v63  }
0x52: {  	_ =	swait.ge [sflag:s24], $0x2000  }
0x53: {  	[sflag:s24] =	ssyncset.done $0x0  }
0x54: {  	s15 =	simm.s32 $0x4D80;
	[sflag:s24] =	ssyncadd.s32 $0xFFFFE000  }
0x55: {  	[spmem:s3] =	stream.indirect.scatter.add.f32 [tilespmem:s22], [sflag:$0x3], $0x40, s15, s21, $0xb8;
	[tilespmem:$0x1C7A0] =	vst v63  }
0x56: {  	_ =	swait.ge [sflag:s25], $0x2000  }
0x57: {  	[sflag:s25] =	ssyncset.done $0x0  }
0x58: {  	s30 =	simm.s32 $0x4E00;
	[sflag:s25] =	ssyncadd.s32 $0xFFFFE000  }
0x59: {  	[spmem:s3] =	stream.indirect.scatter.add.f32 [tilespmem:s23], [sflag:$0x4], $0x40, s30, s21, $0xb8;
	[tilespmem:$0x1C7A0] =	vst v63  }
0x5a: {  	_ =	swait.ge [sflag:s26], $0x2000  }
0x5b: {  	[sflag:s26] =	ssyncset.done $0x0  }
0x5c: {  	[sflag:s26] =	ssyncadd.s32 $0xFFFFE000  }
0x5d: {  	[tilespmem:s22], [sflag:$0x1] =	stream.indirect.gather [spmem:s2], $0x40, s31, s21, $0xb8;
	[tilespmem:$0x1C7A0] =	vst v63  }
0x5e: {  	_ =	swait.ge [sflag:s28], $0x2000  }
0x5f: {  	[sflag:s28] =	ssyncset.done $0x0  }
0x60: {  	[sflag:s28] =	ssyncadd.s32 $0xFFFFE000  }
0x61: {  	_ =	swait.ge [sflag:s24], $0x2000  }
0x62: {  	[sflag:s24] =	ssyncset.done $0x0  }
0x63: {  	[sflag:s24] =	ssyncadd.s32 $0xFFFFE000  }
0x64: {  	[spmem:s3] =	stream.indirect.scatter.add.f32 [tilespmem:s22], [sflag:$0x3], $0x40, s1, s21, $0xb8;
	[tilespmem:$0x1C7A0] =	vst v63  }
0x65: {  	_ =	swait.ge [sflag:s26], $0x2000  }
0x66: {  	[sflag:s26] =	ssyncset.done $0x0  }
0x67: {  	[sflag:s26] =	ssyncadd.s32 $0xFFFFE000  }
0x68: {  	s15 =	simm.s32 @p0 $0x1FC5;
	[bflag:$0x0] =	sbarrier.arrive $0xFFFF  }
0x69: {  	[hbm:s12], [sflag:s15] =	dma.local @p0 [spmem:s17], $0x1400  }
0x6a: {  	s15 =	simm.s32 @p0 $0x5  }
0x6b: {  	s0 =	sadd.s32 $0x1, s0;
	_ =	swait.ge @p0 [sflag:s15], $0x1400  }
0x6c: {  	p1 =	sne.s32 s0, s13;
	[sflag:s15] =	ssyncset.done @p0 $0x0  }
.Ltmp1:
0x6d: {  	[sflag:s15] =	ssyncadd.s32 @p0 $0xFFFFEC00;
	s15 =	simm.s32 @!p0 $0x5;
	(pc) =	sbr.rel @p1 .LBB2_1-.Ltmp1, $4  }
0x6e: {  	[hbm:s11], [sflag:s18] =	dma.local @!p0 [spmem:s20], $0x1380  }
0x6f: {  	_ =	swait.ge @!p0 [sflag:s15], $0x1380  }
0x70: {  	[sflag:s15] =	ssyncset.done @!p0 $0x0  }
0x71: {  	[sflag:s15] =	ssyncadd.s32 @!p0 $0xFFFFEC80  }
0x72: {  	_ =	sfence.sel $0x180000  }
0x73: {  	[bflag:$0x0] =	sbarrier.arrive $0xFFFF  }
0x74: {  	_ =	strace $0x9000004A  }
0x75: {  	s0 =	stileid.u32;
	[bflag:$0x2] =	sbarrier.arrive $0xFFFF  }
0x76: {  	p0 =	sne.s32 s0, $0x0;
	s0 =	rddreg [dreg:$0x3]  }
0x77: {  	s0 =	sadd.s32 @!p0 $0x100000, s0  }
0x78: {  	[sflag:s0] =	ssyncadd.tile.s32 @!p0 $0x1;
	_ =	shalt  }
.Lfunc_end2:
_tile_overlayer_lowered:
.L_overlay_start_2:
0x79: {  	(tag) =	ssettag $0x2  }
0x7a: {  	s0 =	rddreg [dreg:$0x0];
	s2 =	stileid.u32  }
0x7b: {  	s1 =	rddreg [dreg:$0x1];
	p0 =	sne.s32 s2, $0x0  }
0x7c: {  	s3 =	rddreg [dreg:$0x2];
	[bflag:$0x3] =	sbarrier.arrive $0xFFFF;
	s2 =	simm.s32 @!p0 $0x1C05  }
0x7d: {  	[timem:s3], [sflag:s2] =	dma.local @!p0 [hbm:s0], s1  }
0x7e: {  	s0 =	simm.s32 @!p0 $0x5  }
0x7f: {  	_ =	swait.ge @!p0 [sflag:s0], s1  }
0x80: {  	s1 =	ssub.s32 @!p0 $0x0, s1;
	[sflag:s0] =	ssyncset.done @!p0 $0x0  }
0x81: {  	[sflag:s0] =	ssyncadd.s32 @!p0 s1  }
0x82: {  	[bflag:$0x3] =	sbarrier.arrive $0xFFFF  }
0x83: {  	_ =	shalt  }

// kernel: kernel.14.cloned.1.call-start
scs
__scs_entry_jumppad:
0x0: {  	(pc) =	sbr.rel $0x88, $3  }
0x1: {  	(tag) =	ssettag $0x0;
	lr =	simm.s32 $0x1  }
0x2: {  	[smem:$0x3F91] =	sst lr;
	_ =	strace $0xD0000000  }
0x3: {  	_ = 	snop  }
0x4: {  	_ = 	snop  }
0x5: {  	_ = 	snop  }
0x6: {  	_ = 	snop  }
0x7: {  	_ = 	snop  }
__scs_overlays_trampoline_lowered:
0x8: {  	[smem:$0x3FA0] =	sst s0  }
0x9: {  	[smem:$0x3FA1] =	sst s1  }
0xa: {  	[smem:$0x3FA2] =	sst s2  }
0xb: {  	[smem:$0x3FA3] =	sst s3  }
0xc: {  	[smem:$0x3FA4] =	sst s4  }
0xd: {  	[smem:$0x3FA5] =	sst s5  }
0xe: {  	[smem:$0x3FA6] =	sst s6  }
0xf: {  	[smem:$0x3FA7] =	sst s7  }
0x10: {  	[smem:$0x3FA8] =	sst s8  }
0x11: {  	[smem:$0x3FA9] =	sst s9;
	s0 =	simm.s32 @!p0 $0x0  }
0x12: {  	s1 =	sld [smem:$0x3F8F];
	s0 =	simm.s32 @p0 $0x1  }
0x13: {  	[smem:$0x3FAA] =	sst s0;
	s0 =	simm.s32 @!p1 $0x0  }
0x14: {  	s2 =	sld [smem:$0x3F8E];
	s0 =	simm.s32 @p1 $0x1  }
0x15: {  	[smem:$0x3FAB] =	sst s0;
	s0 =	simm.s32 @!p2 $0x0  }
0x16: {  	s3 =	sld [smem:$0x3FDB];
	s0 =	simm.s32 @p2 $0x1  }
0x17: {  	s4 =	simm.s32 $0x1BF5;
	[smem:$0x3FAD] =	sst s0  }
0x18: {  	s0 =	sld [smem:$0x3F90];
	_ =	swait.ge [sflag:s4], $0x0  }
0x19: {  	s7 =	sld [smem:$0x3F91]  }
0x1a: {  	s8 =	sadd.s32 $0xFFFFE003, lr  }
0x1b: {  	s9 =	sadd.s32 $0xFFFFFEF7, lr;
	s5 =	simm.s32 $0xFFFFFFFF;
	p2 =	slt.u32 s8, $0xFFFFF086  }
0x1c: {  	p1 =	slt.u32 s9, $0xF7A;
	s5 =	simm.s32 @!p2 $0x0  }
0x1d: {  	s5 =	simm.s32 @p1 $0x1;
	p0 =	seq.s32 s7, s2  }
0x1e: {  	s7 =	smul.u32 @!p0 $0xF7A, s2;
	p2 =	seq.s32 @!p0 s5, $0x0  }
0x1f: {  	s9 =	smul.u32 $0xF7A, s1;
	s8 =	simm.s32 @!p0 $0x1BF5;
	p2 =	por !p2, p0  }
0x20: {  	[sflag:s8] =	ssyncset.s32 @!p0 $0xFFFFF086;
	s6 =	sadd.s32 @!p0 s3, s7;
	s7 =	simm.s32 @!p0 $0x108  }
0x21: {  	s3 =	sadd.s32 s3, s9;
	s6 =	sadd.s32 @!p0 $0x88, s6;
	s7 =	simm.s32 @p2 $0x1082  }
0x22: {  	[simem:s7], [sflag:s8] =	dma.local @!p0 [hbm:s6], $0xF7A  }
0x23: {  	s9 =	sor.u32 $0xD0000000, s2;
	s6 =	simm.s32 $0x108;
	_ =	swait.ge @!p0 [sflag:s8], $0x0  }
0x24: {  	s3 =	sadd.s32 $0x88, s3;
	s6 =	simm.s32 @!p1 $0x1082;
	[sflag:s4] =	ssyncset.s32 $0xFFFFF086  }
0x25: {  	[simem:s6], [sflag:s4] =	dma.local [hbm:s3], $0xF7A  }
0x26: {  	[smem:$0x3F91] =	sst s1;
	(tag) =	ssettag s2;
	_ =	strace s9  }
0x27: {  	s1 =	sld [smem:$0x3FA1]  }
0x28: {  	s2 =	sld [smem:$0x3FA2]  }
0x29: {  	s4 =	sld [smem:$0x3FA4]  }
0x2a: {  	p0 =	seq.s32 s5, $0x0;
	s5 =	sld [smem:$0x3FA5]  }
0x2b: {  	s6 =	sld [smem:$0x3FA6]  }
0x2c: {  	s7 =	sld [smem:$0x3FA7]  }
0x2d: {  	s3 =	simm.s32 $0x108;
	s8 =	sld [smem:$0x3FA8]  }
0x2e: {  	s3 =	simm.s32 @!p0 $0x1082;
	s9 =	sld [smem:$0x3FA9]  }
0x2f: {  	lr =	sadd.s32 s0, s3;
	s0 =	sld [smem:$0x3FA0]  }
0x30: {  	s3 =	sld [smem:$0x3FA3]  }
0x31: {  	[smem:$0x3FAC] =	sst s10  }
0x32: {  	s10 =	sld [smem:$0x3FAA];
	_ =	sdelay $0x3  }
0x33: {  	p0 =	seq.s32 s10, $0x1;
	s10 =	sld [smem:$0x3FAC];
	_ =	sdelay $0x3  }
0x34: {  	[smem:$0x3FAC] =	sst s10  }
0x35: {  	s10 =	sld [smem:$0x3FAB];
	_ =	sdelay $0x3  }
0x36: {  	p1 =	seq.s32 s10, $0x1;
	s10 =	sld [smem:$0x3FAC];
	_ =	sdelay $0x3  }
0x37: {  	[smem:$0x3FAC] =	sst s10  }
0x38: {  	s10 =	sld [smem:$0x3FAD]  }
0x39: {  	_ = 	snop;
	(pc) =	sbr.ind lr, $3  }
0x3a: {  	_ = 	snop  }
0x3b: {  	_ = 	snop  }
0x3c: {  	p2 =	seq.s32 s10, $0x1;
	s10 =	sld [smem:$0x3FAC]  }
0x3d: {  	_ =	shalt  }
0x3e: {  	_ =	shalt  }
0x3f: {  	_ =	shalt  }
0x40: {  	_ =	shalt  }
0x41: {  	_ =	shalt  }
0x42: {  	_ =	shalt  }
0x43: {  	_ =	shalt  }
0x44: {  	_ =	shalt  }
0x45: {  	_ =	shalt  }
0x46: {  	_ =	shalt  }
0x47: {  	_ =	shalt  }
0x48: {  	_ =	shalt  }
0x49: {  	_ =	shalt  }
0x4a: {  	_ =	shalt  }
0x4b: {  	_ =	shalt  }
0x4c: {  	_ =	shalt  }
0x4d: {  	_ =	shalt  }
0x4e: {  	_ =	shalt  }
0x4f: {  	_ =	shalt  }
0x50: {  	_ =	shalt  }
0x51: {  	_ =	shalt  }
0x52: {  	_ =	shalt  }
0x53: {  	_ =	shalt  }
0x54: {  	_ =	shalt  }
0x55: {  	_ =	shalt  }
0x56: {  	_ =	shalt  }
0x57: {  	_ =	shalt  }
0x58: {  	_ =	shalt  }
0x59: {  	_ =	shalt  }
0x5a: {  	_ =	shalt  }
0x5b: {  	_ =	shalt  }
0x5c: {  	_ =	shalt  }
0x5d: {  	_ =	shalt  }
0x5e: {  	_ =	shalt  }
0x5f: {  	_ =	shalt  }
0x60: {  	_ =	shalt  }
0x61: {  	_ =	shalt  }
0x62: {  	_ =	shalt  }
0x63: {  	_ =	shalt  }
0x64: {  	_ =	shalt  }
0x65: {  	_ =	shalt  }
0x66: {  	_ =	shalt  }
0x67: {  	_ =	shalt  }
0x68: {  	_ =	shalt  }
0x69: {  	_ =	shalt  }
0x6a: {  	_ =	shalt  }
0x6b: {  	_ =	shalt  }
0x6c: {  	_ =	shalt  }
0x6d: {  	_ =	shalt  }
0x6e: {  	_ =	shalt  }
0x6f: {  	_ =	shalt  }
0x70: {  	_ =	shalt  }
0x71: {  	_ =	shalt  }
0x72: {  	_ =	shalt  }
0x73: {  	_ =	shalt  }
0x74: {  	_ =	shalt  }
0x75: {  	_ =	shalt  }
0x76: {  	_ =	shalt  }
0x77: {  	_ =	shalt  }
0x78: {  	_ =	shalt  }
0x79: {  	_ =	shalt  }
0x7a: {  	_ =	shalt  }
0x7b: {  	_ =	shalt  }
0x7c: {  	_ =	shalt  }
0x7d: {  	_ =	shalt  }
0x7e: {  	_ =	shalt  }
0x7f: {  	_ =	shalt  }
0x80: {  	_ =	shalt  }
0x81: {  	_ =	shalt  }
0x82: {  	_ =	shalt  }
0x83: {  	_ =	shalt  }
0x84: {  	_ =	shalt  }
0x85: {  	_ =	shalt  }
0x86: {  	_ =	shalt  }
0x87: {  	_ =	shalt  }
.Lfunc_end0:
.L_simem_size_0:
called_computation.2_lowered:
.L_overlay_start_0:
0x88: {  	s2 =	sld [smem:$0x3FD9]  }
0x89: {  	s3 =	sld [smem:$0x3FFE];
	_ =	sdelay $0x1  }
0x8a: {  	s1 =	srdreg.scid  }
0x8b: {  	s0 =	sand.u32 $0x1, s1  }
0x8c: {  	s16 =	sshll.u32 s0, $0xA;
	s2 =	sadd.s32 s3, s2  }
0x8d: {  	s2 =	sadd.s32 s2, s16  }
0x8e: {  	[smem:$0x3FB8] =	sst s2  }
0x8f: {  	_ = 	snop  }
0x90: {  	(tm) =	ssettm $0x1  }
0x91: {  	s17 =	sld [smem:$0x3FFB];
	_ =	sdelay $0x3  }
0x92: {  	_ =	strace s17  }
0x93: {  	s2 =	sld [smem:$0x3FFC];
	_ =	sdelay $0x3  }
0x94: {  	_ =	strace s2  }
0x95: {  	s2 =	sld [smem:$0x3FFD];
	_ =	sdelay $0x3  }
0x96: {  	_ =	strace s2  }
0x97: {  	_ =	strace $0x8FFFFFFF  }
0x98: {  	s18 =	sld [smem:$0x3FDB];
	_ =	sdelay $0x1  }
0x99: {  	s19 =	simm.s32 $_scs_section_size  }
0x9a: {  	s4 =	simm.s32 $_size__tile_overlayer_lowered;
	s5 =	simm.s32 $_tile_overlayer_lowered  }
0x9b: {  	s22 =	simm.s32 $0x1BFF;
	s21 =	sshll.u32 s5, $0x1;
	s2 =	sadd.s32 s19, s18  }
0x9c: {  	s6 =	simm.s32 $0x0;
	s20 =	sshll.u32 s4, $0x1;
	s4 =	sadd.s32 s21, s2  }
0x9d: {  	[timem:s6], [sflag:s22] =	dma.local [hbm:s4], s20  }
0x9e: {  	_ =	swait.ge [sflag:s22], s20  }
0x9f: {  	s3 =	ssub.s32 $0x0, s20;
	[sflag:s22] =	ssyncset.done $0x0  }
0xa0: {  	[sflag:s22] =	ssyncadd.s32 s3;
	_ =	sdelay $0x1  }
0xa1: {  	s23 =	simm.s32 $0x1B8B  }
0xa2: {  	_ =	swait.ge [sflag:s23], $0x1  }
0xa3: {  	[sflag:s23] =	ssyncset.done $0x0  }
0xa4: {  	s25 =	simm.s32 $0x1B8E;
	s24 =	sld [smem:$0x3FFE];
	[sflag:s23] =	ssyncadd.s32 $0xFFFFFFFF  }
0xa5: {  	s26 =	simm.s32 $execute0_lowered;
	[smem:$0x3FD2] =	sst s25  }
0xa6: {  	s4 =	sshll.u32 s26, $0x1;
	_ =	strace $0x8000004C;
	[dreg:$0x1] =	wrdreg $0xFFFFFFFF  }
0xa7: {  	s28 =	simm.s32 $_size_execute0_lowered;
	s2 =	sadd.s32 s2, s4;
	[dreg:$0x0] =	wrdreg $0x0  }
0xa8: {  	s4 =	sshll.u32 s28, $0x1;
	[dreg:$0x2] =	wrdreg s2  }
0xa9: {  	[dreg:$0x3] =	wrdreg s4  }
0xaa: {  	[dreg:$0x4] =	wrdreg $0xC0  }
0xab: {  	_ =	task [dreg:s6], $0x5FFFF  }
0xac: {  	[dreg:$0x1] =	wrdreg $0xFFFFFFFF  }
0xad: {  	[dreg:$0x0] =	wrdreg $0x60  }
0xae: {  	[dreg:$0x2] =	wrdreg s24  }
0xaf: {  	[dreg:$0x3] =	wrdreg $0x8F000  }
0xb0: {  	[dreg:$0x4] =	wrdreg $0x12B400  }
0xb1: {  	[dreg:$0x5] =	wrdreg $0x9  }
0xb2: {  	_ =	task.clear_ibuf [dreg:s6], $0x6FFFF;
	_ =	strace $0x9000004C  }
0xb3: {  	s29 =	simm.s32 $0x9;
	_ =	strace $0x8000004E  }
0xb4: {  	_ =	swait.ge [sflag:s29], $0x1  }
0xb5: {  	[sflag:s29] =	ssyncadd.s32 $0xFFFFFFFF  }
0xb6: {  	_ =	strace $0x9000004E  }
0xb7: {  	_ =	sfence  }
0xb8: {  	s30 =	sld [smem:$0x0];
	_ =	sdelay $0x2  }
0xb9: {  	s31 =	sshll.u32 s1, $0xD;
	s1 =	sshrl.u32 s1, $0x2  }
0xba: {  	s3 =	sand.u32 $0x4000, s31;
	s1 =	sadd.s32 s1, s30  }
0xbb: {  	s0 =	sor.u32 s3, s0;
	s1 =	sshll.u32 s1, $0x11  }
0xbc: {  	s0 =	sor.u32 s1, s0  }
0xbd: {  	s0 =	sadd.s32 $0x8F2B, s0  }
0xbe: {  	[sflag:s0] =	ssyncadd.remote.s32 $0x1  }
0xbf: {  	_ =	sfence.sel $0xFFFF  }
0xc0: {  	[dreg:$0x0] =	wrdreg $0xFFFFFFFF;
	(pc) =	sbr.abs _section_cstart, $3  }
0xc1: {  	[dreg:$0x1] =	wrdreg $0xFFFFFFFF  }
0xc2: {  	_ =	task.clear_ibuf [dreg:s6], $0x2FFFF;
	_ =	strace $0x9FFFFFFF  }
0xc3: {  	(tm) =	ssettm $0x7FFFFFFF  }
tec
execute0_lowered:
.L_overlay_start_1:
0x0: {  	(tag) =	ssettag $0x1  }
0x1: {  	s1 =	rddreg [dreg:$0x0]  }
0x2: {  	s0 =	srdreg.scid;
	s2 =	rddreg [dreg:$0x1]  }
0x3: {  	s18 =	stileid.u32;
	s3 =	rddreg [dreg:$0x2]  }
0x4: {  	s14 =	simm.s32 $0x5;
	s21 =	simm.s32 $0x80;
	s22 =	simm.s32 $0x4F00  }
0x5: {  	s23 =	simm.s32 $0x6F00;
	s24 =	simm.s32 $0x1;
	s25 =	simm.s32 $0x2  }
0x6: {  	s26 =	simm.s32 $0x3;
	s28 =	simm.s32 $0x4;
	s31 =	simm.s32 $0x2700  }
0x7: {  	s0 =	sand.u32 $0x1, s0;
	s10 =	smul.u32 $0x9C00, s18;
	s11 =	sadd.s32 $0x44A00, s1  }
0x8: {  	s16 =	sadd.s32 $0x92400, s2;
	s17 =	sadd.s32 $0x92400, s3;
	p0 =	seq.s32 s18, $0xF  }
0x9: {  	s4 =	sshll.u32 s0, $0x4;
	s6 =	ssub.s32 $0x2, s0;
	s0 =	smul.u32 $0x9C400, s0  }
0xa: {  	s16 =	sshrl.u32 @p0 s16, $0x3;
	s17 =	sshrl.u32 @p0 s17, $0x3;
	s5 =	sor.u32 s18, s4  }
0xb: {  	s4 =	simm.s32 $0x0;
	s29 =	sshrl.u32 s10, $0x3;
	s8 =	sshrl.u32 s6, $0x1  }
0xc: {  	s15 =	sadd.s32 s10, s2;
	s20 =	sadd.s32 s10, s3;
	s5 =	smul.u32 $0x4F0, s5  }
0xd: {  	[smem:$0x7FF] =	sst s4;
	s9 =	sadd.s32 s29, s1;
	s13 =	ssub.s32 s6, s8  }
0xe: {  	s12 =	sadd.s32 s10, s0;
	s0 =	sshrl.u32 s0, $0x3;
	s10 =	sadd.s32 $0x43480, s1  }
0xf: {  	s19 =	sshrl.u32 @!p0 s15, $0x3;
	s20 =	sshrl.u32 @!p0 s20, $0x3;
	_ =	strace $0x8000004D  }
0x10: {  	s8 =	sadd.s32 $0x31000, s9;
	s30 =	sshrl.u32 s12, $0x3;
	s0 =	sadd.s32 s11, s0  }
0x11: {  	s13 =	smax.u32 s13, $0x1;
	s7 =	sadd.s32 s5, s1;
	s11 =	sadd.s32 s11, s30  }
0x12: {  	s12 =	sadd.s32 $0x12480, s0;
	s0 =	sshll.u32 @!p0 s18, $0x6;
	s5 =	sadd.s32 $0x13800, s7  }
0x13: {  	s6 =	sadd.s32 $0x2000, s7;
	s7 =	sadd.s32 $0x1D600, s9;
	s9 =	sadd.s32 $0x2FA80, s1  }
0x14: {  	s18 =	sor.u32 @!p0 $0x1C05, s0;
	s1 =	simm.s32 $0x4E80;
	s0 =	simm.s32 $0x0  }
.LBB2_1:
0x15: {  	[tilespmem:s4], [sflag:$0x5] =	stream.linear.gather [hbm4b:s5+s4], $0x2780, $0x38;
	[tilespmem:$0x1C7A0] =	vst v63  }
0x16: {  	_ =	swait.ge [sflag:s14], $0x2780  }
0x17: {  	[sflag:s14] =	ssyncset.done $0x0  }
0x18: {  	s15 =	simm.s32 $0x2780;
	[sflag:s14] =	ssyncadd.s32 $0xFFFFD880  }
0x19: {  	[tilespmem:s15], [sflag:$0x5] =	stream.linear.gather [hbm4b:s6+s4], $0x2780, $0x38;
	[tilespmem:$0x1C7A0] =	vst v63  }
0x1a: {  	_ =	swait.ge [sflag:s14], $0x2780  }
0x1b: {  	[sflag:s14] =	ssyncset.done $0x0  }
0x1c: {  	s29 =	simm.s32 @p0 $0x5;
	s15 =	simm.s32 @p0 $0x1FC5;
	[sflag:s14] =	ssyncadd.s32 $0xFFFFD880  }
0x1d: {  	[spmem:s16], [sflag:s15] =	dma.local @p0 [hbm:s9], $0x1400  }
0x1e: {  	_ =	swait.ge @p0 [sflag:s29], $0x1400  }
0x1f: {  	[sflag:s29] =	ssyncset.done @p0 $0x0  }
0x20: {  	[sflag:s29] =	ssyncadd.s32 @p0 $0xFFFFEC00  }
0x21: {  	[spmem:s17], [sflag:s15] =	dma.local @p0 [hbm:s10], $0x1440  }
0x22: {  	_ =	swait.ge @p0 [sflag:s29], $0x1440  }
0x23: {  	[sflag:s29] =	ssyncset.done @p0 $0x0  }
0x24: {  	s15 =	simm.s32 @!p0 $0x5;
	[sflag:s29] =	ssyncadd.s32 @p0 $0xFFFFEBC0  }
0x25: {  	[spmem:s19], [sflag:s18] =	dma.local @!p0 [hbm:s7], $0x1380  }
0x26: {  	_ =	swait.ge @!p0 [sflag:s15], $0x1380  }
0x27: {  	[sflag:s15] =	ssyncset.done @!p0 $0x0  }
0x28: {  	[sflag:s15] =	ssyncadd.s32 @!p0 $0xFFFFEC80  }
0x29: {  	[spmem:s20], [sflag:s18] =	dma.local @!p0 [hbm:s8], $0x1380  }
0x2a: {  	_ =	swait.ge @!p0 [sflag:s15], $0x1380  }
0x2b: {  	[sflag:s15] =	ssyncset.done @!p0 $0x0  }
0x2c: {  	[sflag:s15] =	ssyncadd.s32 @!p0 $0xFFFFEC80  }
0x2d: {  	[bflag:$0x0] =	sbarrier.arrive $0xFFFF  }
0x2e: {  	[tilespmem:s22], [sflag:$0x1] =	stream.indirect.gather [spmem:s2], $0x40, s4, s21, $0xb8;
	[tilespmem:$0x1C7A0] =	vst v63  }
0x2f: {  	_ = 	snop  }
0x30: {  	[tilespmem:s23], [sflag:$0x2] =	stream.indirect.gather [spmem:s2], $0x40, s21, s21, $0xb8;
	[tilespmem:$0x1C7A0] =	vst v63  }
0x31: {  	_ =	swait.ge [sflag:s24], $0x2000  }
0x32: {  	[sflag:s24] =	ssyncset.done $0x0  }
0x33: {  	s30 =	simm.s32 $0x2780;
	[sflag:s24] =	ssyncadd.s32 $0xFFFFE000  }
0x34: {  	[spmem:s3] =	stream.indirect.scatter.add.f32 [tilespmem:s22], [sflag:$0x3], $0x40, s30, s21, $0xb8;
	[tilespmem:$0x1C7A0] =	vst v63  }
0x35: {  	_ =	swait.ge [sflag:s25], $0x2000  }
0x36: {  	[sflag:s25] =	ssyncset.done $0x0  }
0x37: {  	s30 =	simm.s32 $0x2800;
	[sflag:s25] =	ssyncadd.s32 $0xFFFFE000  }
0x38: {  	[spmem:s3] =	stream.indirect.scatter.add.f32 [tilespmem:s23], [sflag:$0x4], $0x40, s30, s21, $0xb8;
	[tilespmem:$0x1C7A0] =	vst v63  }
0x39: {  	_ =	swait.ge [sflag:s26], $0x2000  }
0x3a: {  	[sflag:s26] =	ssyncset.done $0x0  }
0x3b: {  	s30 =	simm.s32 $0x100;
	[sflag:s26] =	ssyncadd.s32 $0xFFFFE000  }
0x3c: {  	[tilespmem:s22], [sflag:$0x1] =	stream.indirect.gather [spmem:s2], $0x40, s30, s21, $0xb8;
	[tilespmem:$0x1C7A0] =	vst v63  }
0x3d: {  	_ =	swait.ge [sflag:s28], $0x2000  }
0x3e: {  	[sflag:s28] =	ssyncset.done $0x0  }
0x3f: {  	s29 =	simm.s32 $0x180;
	s15 =	simm.s32 $0x400;
	[sflag:s28] =	ssyncadd.s32 $0xFFFFE000  }
.LBB2_2:
0x40: {  	[tilespmem:s23], [sflag:$0x2] =	stream.indirect.gather [spmem:s2], $0x40, s29, s21, $0xb8;
	[tilespmem:$0x1C7A0] =	vst v63  }
0x41: {  	s29 =	smov.u32 s15  }
0x42: {  	p1 =	sne.s32 s15, $0x9400;
	s15 =	sadd.s32 $0x400, s15;
	_ =	swait.ge [sflag:s24], $0x2000  }
0x43: {  	s29 =	sshra.s32 s29, $0x2;
	[sflag:s24] =	ssyncset.done $0x0  }
0x44: {  	s30 =	sadd.s32 $0x2780, s29;
	[sflag:s24] =	ssyncadd.s32 $0xFFFFE000  }
0x45: {  	[spmem:s3] =	stream.indirect.scatter.add.f32 [tilespmem:s22], [sflag:$0x3], $0x40, s30, s21, $0xb8;
	[tilespmem:$0x1C7A0] =	vst v63  }
0x46: {  	_ =	swait.ge [sflag:s25], $0x2000  }
0x47: {  	[sflag:s25] =	ssyncset.done $0x0  }
0x48: {  	s30 =	sadd.s32 $0x2800, s29;
	[sflag:s25] =	ssyncadd.s32 $0xFFFFE000  }
0x49: {  	[spmem:s3] =	stream.indirect.scatter.add.f32 [tilespmem:s23], [sflag:$0x4], $0x40, s30, s21, $0xb8;
	[tilespmem:$0x1C7A0] =	vst v63  }
0x4a: {  	_ =	swait.ge [sflag:s26], $0x2000  }
0x4b: {  	[sflag:s26] =	ssyncset.done $0x0  }
.Ltmp0:
0x4c: {  	s30 =	sadd.s32 $0x100, s29;
	[sflag:s26] =	ssyncadd.s32 $0xFFFFE000;
	(pc) =	sbr.rel @p1 .LBB2_2-.Ltmp0, $4  }
0x4d: {  	[tilespmem:s22], [sflag:$0x1] =	stream.indirect.gather [spmem:s2], $0x40, s30, s21, $0xb8;
	[tilespmem:$0x1C7A0] =	vst v63  }
0x4e: {  	_ =	swait.ge [sflag:s28], $0x2000  }
0x4f: {  	[sflag:s28] =	ssyncset.done $0x0  }
0x50: {  	s29 =	sadd.s32 $0x180, s29;
	[sflag:s28] =	ssyncadd.s32 $0xFFFFE000  }
0x51: {  	[tilespmem:s23], [sflag:$0x2] =	stream.indirect.gather [spmem:s2], $0x40, s29, s21, $0xb8;
	[tilespmem:$0x1C7A0] =	vst v63  }
0x52: {  	_ =	swait.ge [sflag:s24], $0x2000  }
0x53: {  	[sflag:s24] =	ssyncset.done $0x0  }
0x54: {  	s15 =	simm.s32 $0x4D80;
	[sflag:s24] =	ssyncadd.s32 $0xFFFFE000  }
0x55: {  	[spmem:s3] =	stream.indirect.scatter.add.f32 [tilespmem:s22], [sflag:$0x3], $0x40, s15, s21, $0xb8;
	[tilespmem:$0x1C7A0] =	vst v63  }
0x56: {  	_ =	swait.ge [sflag:s25], $0x2000  }
0x57: {  	[sflag:s25] =	ssyncset.done $0x0  }
0x58: {  	s30 =	simm.s32 $0x4E00;
	[sflag:s25] =	ssyncadd.s32 $0xFFFFE000  }
0x59: {  	[spmem:s3] =	stream.indirect.scatter.add.f32 [tilespmem:s23], [sflag:$0x4], $0x40, s30, s21, $0xb8;
	[tilespmem:$0x1C7A0] =	vst v63  }
0x5a: {  	_ =	swait.ge [sflag:s26], $0x2000  }
0x5b: {  	[sflag:s26] =	ssyncset.done $0x0  }
0x5c: {  	[sflag:s26] =	ssyncadd.s32 $0xFFFFE000  }
0x5d: {  	[tilespmem:s22], [sflag:$0x1] =	stream.indirect.gather [spmem:s2], $0x40, s31, s21, $0xb8;
	[tilespmem:$0x1C7A0] =	vst v63  }
0x5e: {  	_ =	swait.ge [sflag:s28], $0x2000  }
0x5f: {  	[sflag:s28] =	ssyncset.done $0x0  }
0x60: {  	[sflag:s28] =	ssyncadd.s32 $0xFFFFE000  }
0x61: {  	_ =	swait.ge [sflag:s24], $0x2000  }
0x62: {  	[sflag:s24] =	ssyncset.done $0x0  }
0x63: {  	[sflag:s24] =	ssyncadd.s32 $0xFFFFE000  }
0x64: {  	[spmem:s3] =	stream.indirect.scatter.add.f32 [tilespmem:s22], [sflag:$0x3], $0x40, s1, s21, $0xb8;
	[tilespmem:$0x1C7A0] =	vst v63  }
0x65: {  	_ =	swait.ge [sflag:s26], $0x2000  }
0x66: {  	[sflag:s26] =	ssyncset.done $0x0  }
0x67: {  	[sflag:s26] =	ssyncadd.s32 $0xFFFFE000  }
0x68: {  	s15 =	simm.s32 @p0 $0x1FC5;
	[bflag:$0x0] =	sbarrier.arrive $0xFFFF  }
0x69: {  	[hbm:s12], [sflag:s15] =	dma.local @p0 [spmem:s17], $0x1400  }
0x6a: {  	s15 =	simm.s32 @p0 $0x5  }
0x6b: {  	s0 =	sadd.s32 $0x1, s0;
	_ =	swait.ge @p0 [sflag:s15], $0x1400  }
0x6c: {  	p1 =	sne.s32 s0, s13;
	[sflag:s15] =	ssyncset.done @p0 $0x0  }
.Ltmp1:
0x6d: {  	[sflag:s15] =	ssyncadd.s32 @p0 $0xFFFFEC00;
	s15 =	simm.s32 @!p0 $0x5;
	(pc) =	sbr.rel @p1 .LBB2_1-.Ltmp1, $4  }
0x6e: {  	[hbm:s11], [sflag:s18] =	dma.local @!p0 [spmem:s20], $0x1380  }
0x6f: {  	_ =	swait.ge @!p0 [sflag:s15], $0x1380  }
0x70: {  	[sflag:s15] =	ssyncset.done @!p0 $0x0  }
0x71: {  	[sflag:s15] =	ssyncadd.s32 @!p0 $0xFFFFEC80  }
0x72: {  	_ =	sfence.sel $0x180000  }
0x73: {  	[bflag:$0x0] =	sbarrier.arrive $0xFFFF  }
0x74: {  	_ =	strace $0x9000004D  }
0x75: {  	s0 =	stileid.u32;
	[bflag:$0x2] =	sbarrier.arrive $0xFFFF  }
0x76: {  	p0 =	sne.s32 s0, $0x0;
	s0 =	rddreg [dreg:$0x3]  }
0x77: {  	s0 =	sadd.s32 @!p0 $0x100000, s0  }
0x78: {  	[sflag:s0] =	ssyncadd.tile.s32 @!p0 $0x1;
	_ =	shalt  }
.Lfunc_end2:
_tile_overlayer_lowered:
.L_overlay_start_2:
0x79: {  	(tag) =	ssettag $0x2  }
0x7a: {  	s0 =	rddreg [dreg:$0x0];
	s2 =	stileid.u32  }
0x7b: {  	s1 =	rddreg [dreg:$0x1];
	p0 =	sne.s32 s2, $0x0  }
0x7c: {  	s3 =	rddreg [dreg:$0x2];
	[bflag:$0x3] =	sbarrier.arrive $0xFFFF;
	s2 =	simm.s32 @!p0 $0x1C05  }
0x7d: {  	[timem:s3], [sflag:s2] =	dma.local @!p0 [hbm:s0], s1  }
0x7e: {  	s0 =	simm.s32 @!p0 $0x5  }
0x7f: {  	_ =	swait.ge @!p0 [sflag:s0], s1  }
0x80: {  	s1 =	ssub.s32 @!p0 $0x0, s1;
	[sflag:s0] =	ssyncset.done @!p0 $0x0  }
0x81: {  	[sflag:s0] =	ssyncadd.s32 @!p0 s1  }
0x82: {  	[bflag:$0x3] =	sbarrier.arrive $0xFFFF  }
0x83: {  	_ =	shalt  }

// kernel: kernel.8.cloned.1.call-start
scs
__scs_entry_jumppad:
0x0: {  	(pc) =	sbr.rel $0x88, $3  }
0x1: {  	(tag) =	ssettag $0x0;
	lr =	simm.s32 $0x1  }
0x2: {  	[smem:$0x3F91] =	sst lr;
	_ =	strace $0xD0000000  }
0x3: {  	_ = 	snop  }
0x4: {  	_ = 	snop  }
0x5: {  	_ = 	snop  }
0x6: {  	_ = 	snop  }
0x7: {  	_ = 	snop  }
__scs_overlays_trampoline_lowered:
0x8: {  	[smem:$0x3FA0] =	sst s0  }
0x9: {  	[smem:$0x3FA1] =	sst s1  }
0xa: {  	[smem:$0x3FA2] =	sst s2  }
0xb: {  	[smem:$0x3FA3] =	sst s3  }
0xc: {  	[smem:$0x3FA4] =	sst s4  }
0xd: {  	[smem:$0x3FA5] =	sst s5  }
0xe: {  	[smem:$0x3FA6] =	sst s6  }
0xf: {  	[smem:$0x3FA7] =	sst s7  }
0x10: {  	[smem:$0x3FA8] =	sst s8  }
0x11: {  	[smem:$0x3FA9] =	sst s9;
	s0 =	simm.s32 @!p0 $0x0  }
0x12: {  	s1 =	sld [smem:$0x3F8F];
	s0 =	simm.s32 @p0 $0x1  }
0x13: {  	[smem:$0x3FAA] =	sst s0;
	s0 =	simm.s32 @!p1 $0x0  }
0x14: {  	s2 =	sld [smem:$0x3F8E];
	s0 =	simm.s32 @p1 $0x1  }
0x15: {  	[smem:$0x3FAB] =	sst s0;
	s0 =	simm.s32 @!p2 $0x0  }
0x16: {  	s3 =	sld [smem:$0x3FDB];
	s0 =	simm.s32 @p2 $0x1  }
0x17: {  	s4 =	simm.s32 $0x1BF5;
	[smem:$0x3FAD] =	sst s0  }
0x18: {  	s0 =	sld [smem:$0x3F90];
	_ =	swait.ge [sflag:s4], $0x0  }
0x19: {  	s7 =	sld [smem:$0x3F91]  }
0x1a: {  	s8 =	sadd.s32 $0xFFFFE003, lr  }
0x1b: {  	s9 =	sadd.s32 $0xFFFFFEF7, lr;
	s5 =	simm.s32 $0xFFFFFFFF;
	p2 =	slt.u32 s8, $0xFFFFF086  }
0x1c: {  	p1 =	slt.u32 s9, $0xF7A;
	s5 =	simm.s32 @!p2 $0x0  }
0x1d: {  	s5 =	simm.s32 @p1 $0x1;
	p0 =	seq.s32 s7, s2  }
0x1e: {  	s7 =	smul.u32 @!p0 $0xF7A, s2;
	p2 =	seq.s32 @!p0 s5, $0x0  }
0x1f: {  	s9 =	smul.u32 $0xF7A, s1;
	s8 =	simm.s32 @!p0 $0x1BF5;
	p2 =	por !p2, p0  }
0x20: {  	[sflag:s8] =	ssyncset.s32 @!p0 $0xFFFFF086;
	s6 =	sadd.s32 @!p0 s3, s7;
	s7 =	simm.s32 @!p0 $0x108  }
0x21: {  	s3 =	sadd.s32 s3, s9;
	s6 =	sadd.s32 @!p0 $0x88, s6;
	s7 =	simm.s32 @p2 $0x1082  }
0x22: {  	[simem:s7], [sflag:s8] =	dma.local @!p0 [hbm:s6], $0xF7A  }
0x23: {  	s9 =	sor.u32 $0xD0000000, s2;
	s6 =	simm.s32 $0x108;
	_ =	swait.ge @!p0 [sflag:s8], $0x0  }
0x24: {  	s3 =	sadd.s32 $0x88, s3;
	s6 =	simm.s32 @!p1 $0x1082;
	[sflag:s4] =	ssyncset.s32 $0xFFFFF086  }
0x25: {  	[simem:s6], [sflag:s4] =	dma.local [hbm:s3], $0xF7A  }
0x26: {  	[smem:$0x3F91] =	sst s1;
	(tag) =	ssettag s2;
	_ =	strace s9  }
0x27: {  	s1 =	sld [smem:$0x3FA1]  }
0x28: {  	s2 =	sld [smem:$0x3FA2]  }
0x29: {  	s4 =	sld [smem:$0x3FA4]  }
0x2a: {  	p0 =	seq.s32 s5, $0x0;
	s5 =	sld [smem:$0x3FA5]  }
0x2b: {  	s6 =	sld [smem:$0x3FA6]  }
0x2c: {  	s7 =	sld [smem:$0x3FA7]  }
0x2d: {  	s3 =	simm.s32 $0x108;
	s8 =	sld [smem:$0x3FA8]  }
0x2e: {  	s3 =	simm.s32 @!p0 $0x1082;
	s9 =	sld [smem:$0x3FA9]  }
0x2f: {  	lr =	sadd.s32 s0, s3;
	s0 =	sld [smem:$0x3FA0]  }
0x30: {  	s3 =	sld [smem:$0x3FA3]  }
0x31: {  	[smem:$0x3FAC] =	sst s10  }
0x32: {  	s10 =	sld [smem:$0x3FAA];
	_ =	sdelay $0x3  }
0x33: {  	p0 =	seq.s32 s10, $0x1;
	s10 =	sld [smem:$0x3FAC];
	_ =	sdelay $0x3  }
0x34: {  	[smem:$0x3FAC] =	sst s10  }
0x35: {  	s10 =	sld [smem:$0x3FAB];
	_ =	sdelay $0x3  }
0x36: {  	p1 =	seq.s32 s10, $0x1;
	s10 =	sld [smem:$0x3FAC];
	_ =	sdelay $0x3  }
0x37: {  	[smem:$0x3FAC] =	sst s10  }
0x38: {  	s10 =	sld [smem:$0x3FAD]  }
0x39: {  	_ = 	snop;
	(pc) =	sbr.ind lr, $3  }
0x3a: {  	_ = 	snop  }
0x3b: {  	_ = 	snop  }
0x3c: {  	p2 =	seq.s32 s10, $0x1;
	s10 =	sld [smem:$0x3FAC]  }
0x3d: {  	_ =	shalt  }
0x3e: {  	_ =	shalt  }
0x3f: {  	_ =	shalt  }
0x40: {  	_ =	shalt  }
0x41: {  	_ =	shalt  }
0x42: {  	_ =	shalt  }
0x43: {  	_ =	shalt  }
0x44: {  	_ =	shalt  }
0x45: {  	_ =	shalt  }
0x46: {  	_ =	shalt  }
0x47: {  	_ =	shalt  }
0x48: {  	_ =	shalt  }
0x49: {  	_ =	shalt  }
0x4a: {  	_ =	shalt  }
0x4b: {  	_ =	shalt  }
0x4c: {  	_ =	shalt  }
0x4d: {  	_ =	shalt  }
0x4e: {  	_ =	shalt  }
0x4f: {  	_ =	shalt  }
0x50: {  	_ =	shalt  }
0x51: {  	_ =	shalt  }
0x52: {  	_ =	shalt  }
0x53: {  	_ =	shalt  }
0x54: {  	_ =	shalt  }
0x55: {  	_ =	shalt  }
0x56: {  	_ =	shalt  }
0x57: {  	_ =	shalt  }
0x58: {  	_ =	shalt  }
0x59: {  	_ =	shalt  }
0x5a: {  	_ =	shalt  }
0x5b: {  	_ =	shalt  }
0x5c: {  	_ =	shalt  }
0x5d: {  	_ =	shalt  }
0x5e: {  	_ =	shalt  }
0x5f: {  	_ =	shalt  }
0x60: {  	_ =	shalt  }
0x61: {  	_ =	shalt  }
0x62: {  	_ =	shalt  }
0x63: {  	_ =	shalt  }
0x64: {  	_ =	shalt  }
0x65: {  	_ =	shalt  }
0x66: {  	_ =	shalt  }
0x67: {  	_ =	shalt  }
0x68: {  	_ =	shalt  }
0x69: {  	_ =	shalt  }
0x6a: {  	_ =	shalt  }
0x6b: {  	_ =	shalt  }
0x6c: {  	_ =	shalt  }
0x6d: {  	_ =	shalt  }
0x6e: {  	_ =	shalt  }
0x6f: {  	_ =	shalt  }
0x70: {  	_ =	shalt  }
0x71: {  	_ =	shalt  }
0x72: {  	_ =	shalt  }
0x73: {  	_ =	shalt  }
0x74: {  	_ =	shalt  }
0x75: {  	_ =	shalt  }
0x76: {  	_ =	shalt  }
0x77: {  	_ =	shalt  }
0x78: {  	_ =	shalt  }
0x79: {  	_ =	shalt  }
0x7a: {  	_ =	shalt  }
0x7b: {  	_ =	shalt  }
0x7c: {  	_ =	shalt  }
0x7d: {  	_ =	shalt  }
0x7e: {  	_ =	shalt  }
0x7f: {  	_ =	shalt  }
0x80: {  	_ =	shalt  }
0x81: {  	_ =	shalt  }
0x82: {  	_ =	shalt  }
0x83: {  	_ =	shalt  }
0x84: {  	_ =	shalt  }
0x85: {  	_ =	shalt  }
0x86: {  	_ =	shalt  }
0x87: {  	_ =	shalt  }
.Lfunc_end0:
.L_simem_size_0:
called_computation_lowered:
.L_overlay_start_0:
0x88: {  	s2 =	sld [smem:$0x3FD9]  }
0x89: {  	s3 =	sld [smem:$0x3FFE];
	_ =	sdelay $0x1  }
0x8a: {  	s1 =	srdreg.scid  }
0x8b: {  	s0 =	sand.u32 $0x1, s1  }
0x8c: {  	s16 =	sshll.u32 s0, $0xA;
	s2 =	sadd.s32 s3, s2  }
0x8d: {  	s2 =	sadd.s32 s2, s16  }
0x8e: {  	[smem:$0x3FB8] =	sst s2  }
0x8f: {  	_ = 	snop  }
0x90: {  	(tm) =	ssettm $0x1  }
0x91: {  	s17 =	sld [smem:$0x3FFB];
	_ =	sdelay $0x3  }
0x92: {  	_ =	strace s17  }
0x93: {  	s2 =	sld [smem:$0x3FFC];
	_ =	sdelay $0x3  }
0x94: {  	_ =	strace s2  }
0x95: {  	s2 =	sld [smem:$0x3FFD];
	_ =	sdelay $0x3  }
0x96: {  	_ =	strace s2  }
0x97: {  	_ =	strace $0x8FFFFFFF  }
0x98: {  	s18 =	sld [smem:$0x3FDB];
	_ =	sdelay $0x1  }
0x99: {  	s19 =	simm.s32 $_scs_section_size  }
0x9a: {  	s4 =	simm.s32 $_size__tile_overlayer_lowered;
	s5 =	simm.s32 $_tile_overlayer_lowered  }
0x9b: {  	s22 =	simm.s32 $0x1BFF;
	s21 =	sshll.u32 s5, $0x1;
	s2 =	sadd.s32 s19, s18  }
0x9c: {  	s6 =	simm.s32 $0x0;
	s20 =	sshll.u32 s4, $0x1;
	s4 =	sadd.s32 s21, s2  }
0x9d: {  	[timem:s6], [sflag:s22] =	dma.local [hbm:s4], s20  }
0x9e: {  	_ =	swait.ge [sflag:s22], s20  }
0x9f: {  	s3 =	ssub.s32 $0x0, s20;
	[sflag:s22] =	ssyncset.done $0x0  }
0xa0: {  	[sflag:s22] =	ssyncadd.s32 s3;
	_ =	sdelay $0x1  }
0xa1: {  	s23 =	simm.s32 $0x1B8B  }
0xa2: {  	_ =	swait.ge [sflag:s23], $0x1  }
0xa3: {  	[sflag:s23] =	ssyncset.done $0x0  }
0xa4: {  	s25 =	simm.s32 $0x1B8E;
	s24 =	sld [smem:$0x3FFE];
	[sflag:s23] =	ssyncadd.s32 $0xFFFFFFFF  }
0xa5: {  	s26 =	simm.s32 $execute0_lowered;
	[smem:$0x3FD2] =	sst s25  }
0xa6: {  	s4 =	sshll.u32 s26, $0x1;
	_ =	strace $0x80000046;
	[dreg:$0x1] =	wrdreg $0xFFFFFFFF  }
0xa7: {  	s28 =	simm.s32 $_size_execute0_lowered;
	s2 =	sadd.s32 s2, s4;
	[dreg:$0x0] =	wrdreg $0x0  }
0xa8: {  	s4 =	sshll.u32 s28, $0x1;
	[dreg:$0x2] =	wrdreg s2  }
0xa9: {  	[dreg:$0x3] =	wrdreg s4  }
0xaa: {  	[dreg:$0x4] =	wrdreg $0xC0  }
0xab: {  	_ =	task [dreg:s6], $0x5FFFF  }
0xac: {  	[dreg:$0x1] =	wrdreg $0xFFFFFFFF  }
0xad: {  	[dreg:$0x0] =	wrdreg $0x60  }
0xae: {  	[dreg:$0x2] =	wrdreg s24  }
0xaf: {  	[dreg:$0x3] =	wrdreg $0x2B800  }
0xb0: {  	[dreg:$0x4] =	wrdreg $0x9  }
0xb1: {  	_ =	task.clear_ibuf [dreg:s6], $0x5FFFF;
	_ =	strace $0x90000046  }
0xb2: {  	s29 =	simm.s32 $0x9;
	_ =	strace $0x80000048  }
0xb3: {  	_ =	swait.ge [sflag:s29], $0x1  }
0xb4: {  	[sflag:s29] =	ssyncadd.s32 $0xFFFFFFFF  }
0xb5: {  	_ =	strace $0x90000048  }
0xb6: {  	_ =	sfence  }
0xb7: {  	s30 =	sld [smem:$0x0];
	_ =	sdelay $0x2  }
0xb8: {  	s31 =	sshll.u32 s1, $0xD;
	s1 =	sshrl.u32 s1, $0x2  }
0xb9: {  	s3 =	sand.u32 $0x4000, s31;
	s1 =	sadd.s32 s1, s30  }
0xba: {  	s0 =	sor.u32 s3, s0;
	s1 =	sshll.u32 s1, $0x11  }
0xbb: {  	s0 =	sor.u32 s1, s0  }
0xbc: {  	s0 =	sadd.s32 $0x8F2B, s0  }
0xbd: {  	[sflag:s0] =	ssyncadd.remote.s32 $0x1  }
0xbe: {  	_ =	sfence.sel $0xFFFF  }
0xbf: {  	[dreg:$0x0] =	wrdreg $0xFFFFFFFF;
	(pc) =	sbr.abs _section_cstart, $3  }
0xc0: {  	[dreg:$0x1] =	wrdreg $0xFFFFFFFF  }
0xc1: {  	_ =	task.clear_ibuf [dreg:s6], $0x2FFFF;
	_ =	strace $0x9FFFFFFF  }
0xc2: {  	(tm) =	ssettm $0x7FFFFFFF  }
0xc3: {  	_ =	shalt  }
tec
execute0_lowered:
.L_overlay_start_1:
0x0: {  	(tag) =	ssettag $0x1  }
0x1: {  	s7 =	rddreg [dreg:$0x0];
	s0 =	srdreg.scid  }
0x2: {  	s2 =	rddreg [dreg:$0x1];
	s1 =	stileid.u32;
	s3 =	simm.s32 $0x0  }
0x3: {  	s17 =	simm.s32 $0x1;
	s5 =	sand.u32 $0x1, s0;
	s0 =	rddreg [dreg:$0x2]  }
0x4: {  	s18 =	simm.s32 $0x0;
	s8 =	smul.u32 $0x1380, s1;
	[smem:$0x7FF] =	sst s3  }
0x5: {  	s13 =	sadd.s32 $0xE800, s7;
	s14 =	sadd.s32 $0x12480, s2;
	p0 =	seq.s32 s1, $0xF  }
0x6: {  	s4 =	sshll.u32 s5, $0x4;
	_ =	strace $0x80000047;
	s10 =	ssub.s32 $0x2, s5  }
0x7: {  	s12 =	smul.u32 $0x13880, s5;
	s16 =	sshll.u32 @!p0 s1, $0x6;
	s4 =	sor.u32 s1, s4  }
0x8: {  	s6 =	sshrl.u32 s8, $0x3;
	s11 =	sshrl.u32 s10, $0x1;
	s15 =	sadd.s32 s8, s2  }
0x9: {  	s4 =	smul.u32 $0x4F0, s4;
	s6 =	sadd.s32 s6, s7;
	s10 =	ssub.s32 s10, s11  }
0xa: {  	s8 =	sadd.s32 s8, s12;
	s31 =	sshrl.u32 s12, $0x3;
	s11 =	simm.s32 $0x2  }
0xb: {  	s12 =	simm.s32 $0x2780;
	s15 =	sshrl.u32 @!p0 s15, $0x3;
	s6 =	sadd.s32 $0xBE00, s6  }
0xc: {  	s8 =	sshrl.u32 s8, $0x3;
	s10 =	smax.u32 s10, $0x1;
	s9 =	sadd.s32 s4, s7  }
0xd: {  	s4 =	sadd.s32 $0xE600, s7;
	s7 =	sadd.s32 $0xE290, s7;
	s8 =	sadd.s32 s13, s8  }
0xe: {  	s5 =	sadd.s32 $0x2000, s9;
	s9 =	sadd.s32 s13, s31;
	s13 =	sshrl.u32 @p0 s14, $0x3  }
0xf: {  	s14 =	sor.u32 @!p0 $0x1C02, s16;
	s16 =	simm.s32 $0x80;
	s9 =	sadd.s32 $0x2490, s9  }
.LBB2_1:
0x10: {  	[tilespmem:s3], [sflag:$0x2] =	stream.linear.gather [hbm4b:s5+s3], $0x2780, $0x38;
	[tilespmem:$0x3F10] =	vst v63  }
0x11: {  	_ =	swait.ge [sflag:s11], $0x2780  }
0x12: {  	[sflag:s11] =	ssyncset.done $0x0  }
0x13: {  	[sflag:s11] =	ssyncadd.s32 $0xFFFFD880  }
0x14: {  	[tilespmem:s12], [sflag:$0x2] =	stream.linear.gather [hbm4b:s4+s3], $0x400, $0x38;
	[tilespmem:$0x3F10] =	vst v63  }
0x15: {  	_ =	swait.ge [sflag:s11], $0x400  }
0x16: {  	[sflag:s11] =	ssyncset.done $0x0  }
0x17: {  	s19 =	simm.s32 @p0 $0x1FC2;
	[sflag:s11] =	ssyncadd.s32 $0xFFFFFC00  }
0x18: {  	[spmem:s13], [sflag:s19] =	dma.local @p0 [hbm:s7], $0x288  }
0x19: {  	s19 =	simm.s32 @p0 $0x2  }
0x1a: {  	_ =	swait.ge @p0 [sflag:s19], $0x288  }
0x1b: {  	[sflag:s19] =	ssyncset.done @p0 $0x0  }
0x1c: {  	[sflag:s19] =	ssyncadd.s32 @p0 $0xFFFFFD78;
	s19 =	simm.s32 @!p0 $0x2  }
0x1d: {  	[spmem:s15], [sflag:s14] =	dma.local @!p0 [hbm:s6], $0x270  }
0x1e: {  	_ =	swait.ge @!p0 [sflag:s19], $0x270  }
0x1f: {  	[sflag:s19] =	ssyncset.done @!p0 $0x0  }
0x20: {  	[sflag:s19] =	ssyncadd.s32 @!p0 $0xFFFFFD90  }
0x21: {  	s19 =	simm.s32 $0x0;
	[bflag:$0x0] =	sbarrier.arrive $0xFFFF  }
.LBB2_2:
0x22: {  	p1 =	sne.s32 s19, $0x9C00  }
.Ltmp0:
0x23: {  	_ = 	snop;
	(pc) =	sbr.rel @p1 .LBB2_2-.Ltmp0, $3  }
0x24: {  	_ =	sdelay $0x1  }
0x25: {  	s20 =	sshra.s32 s19, $0x2;
	s19 =	sadd.s32 $0x200, s19  }
0x26: {  	[spmem:s2] =	stream.indirect.scatter.add.f32 [tilespmem:s12], [sflag:$0x1], $0x8, s20, s16, $0xb8;
	[tilespmem:$0x3F10] =	vst v63  }
0x27: {  	_ =	swait.ge [sflag:s17], $0x400  }
0x28: {  	s19 =	simm.s32 $0x4E;
	[sflag:s17] =	ssyncset.done $0x0  }
.LBB2_4:
0x29: {  	p1 =	sne.s32 s19, $0x1;
	s19 =	sadd.s32 $0xFFFFFFFF, s19;
	[sflag:s17] =	ssyncadd.s32 $0xFFFFFC00  }
.Ltmp1:
0x2a: {  	(pc) =	sbr.rel @p1 .LBB2_4-.Ltmp1, $3  }
0x2b: {  	_ =	sdelay $0x1  }
0x2c: {  	_ =	swait.ge [sflag:s17], $0x400  }
0x2d: {  	[sflag:s17] =	ssyncset.done $0x0  }
0x2e: {  	[sflag:s17] =	ssyncadd.s32 $0xFFFFFC00  }
0x2f: {  	s19 =	simm.s32 @p0 $0x1FC2;
	[bflag:$0x0] =	sbarrier.arrive $0xFFFF  }
0x30: {  	[hbm:s9], [sflag:s19] =	dma.local @p0 [spmem:s13], $0x280  }
0x31: {  	s19 =	simm.s32 @p0 $0x2  }
0x32: {  	s18 =	sadd.s32 $0x1, s18;
	_ =	swait.ge @p0 [sflag:s19], $0x280  }
0x33: {  	p1 =	sne.s32 s18, s10;
	[sflag:s19] =	ssyncset.done @p0 $0x0  }
.Ltmp2:
0x34: {  	[sflag:s19] =	ssyncadd.s32 @p0 $0xFFFFFD80;
	s19 =	simm.s32 @!p0 $0x2;
	(pc) =	sbr.rel @p1 .LBB2_1-.Ltmp2, $4  }
0x35: {  	[hbm:s8], [sflag:s14] =	dma.local @!p0 [spmem:s15], $0x270  }
0x36: {  	_ =	swait.ge @!p0 [sflag:s19], $0x270  }
0x37: {  	[sflag:s19] =	ssyncset.done @!p0 $0x0  }
0x38: {  	[sflag:s19] =	ssyncadd.s32 @!p0 $0xFFFFFD90  }
0x39: {  	_ =	sfence.sel $0x180000  }
0x3a: {  	[bflag:$0x0] =	sbarrier.arrive $0xFFFF  }
0x3b: {  	p0 =	sne.s32 s1, $0x0;
	_ =	strace $0x90000047  }
0x3c: {  	s0 =	sadd.s32 @!p0 $0x100000, s0;
	[bflag:$0x2] =	sbarrier.arrive $0xFFFF  }
0x3d: {  	[sflag:s0] =	ssyncadd.tile.s32 @!p0 $0x1;
	_ =	shalt  }
.Lfunc_end2:
_tile_overlayer_lowered:
.L_overlay_start_2:
0x3e: {  	(tag) =	ssettag $0x2  }
0x3f: {  	s0 =	rddreg [dreg:$0x0];
	s2 =	stileid.u32  }
0x40: {  	s1 =	rddreg [dreg:$0x1];
	p0 =	sne.s32 s2, $0x0  }
0x41: {  	s3 =	rddreg [dreg:$0x2];
	[bflag:$0x3] =	sbarrier.arrive $0xFFFF;
	s2 =	simm.s32 @!p0 $0x1C02  }
0x42: {  	[timem:s3], [sflag:s2] =	dma.local @!p0 [hbm:s0], s1  }
0x43: {  	s0 =	simm.s32 @!p0 $0x2  }
0x44: {  	_ =	swait.ge @!p0 [sflag:s0], s1  }
0x45: {  	s1 =	ssub.s32 @!p0 $0x0, s1;
	[sflag:s0] =	ssyncset.done @!p0 $0x0  }
0x46: {  	[sflag:s0] =	ssyncadd.s32 @!p0 s1  }
0x47: {  	[bflag:$0x3] =	sbarrier.arrive $0xFFFF  }
0x48: {  	_ =	shalt  }

</sc_bundles>
